<compile_context>
chip_gen: v7x
topology: tpu7x:2x2x1
jax: 0.10.2.dev20260603
libtpu: 0.0.44.dev20260713+nightly
codegen_flags: <defaults>
</compile_context>

<pallas_src>
import functools

import jax
import jax.numpy as jnp
from jax import lax
from jax.experimental import pallas as pl
from jax.experimental.pallas import tpu as pltpu
from jax.experimental.pallas import tpu_sc as plsc

D_MODEL = 768
NUM_EXPERTS = 8
TOP_K = 2
EXPERT_DIM = 128
EH = NUM_EXPERTS * EXPERT_DIM
TOKEN_BLOCK = 1024
NUM_WORKERS = 32
LANES = 16


def _gating_block(x_ref, gw_ref, gb_ref, out_ref):
    logits = jnp.dot(x_ref[...], gw_ref[...],
                     preferred_element_type=jnp.float32)
    out_ref[...] = logits + gb_ref[...]


def _make_router(t):
    tpw = t // NUM_WORKERS
    groups = tpw // LANES

    @functools.partial(
        pl.kernel,
        out_type=jax.ShapeDtypeStruct((t * NUM_EXPERTS,), jnp.float32),
        mesh=plsc.VectorSubcoreMesh(core_axis_name="c", subcore_axis_name="s"),
        compiler_params=pltpu.CompilerParams(needs_layout_passes=False),
        scratch_types=[
            pltpu.VMEM((tpw * NUM_EXPERTS,), jnp.float32),
            pltpu.VMEM((tpw * NUM_EXPERTS,), jnp.float32),
        ],
    )
    def _route(logits_hbm, coef_hbm, lg_v, cf_v):
        wid = lax.axis_index("s") * 2 + lax.axis_index("c")
        base = wid * tpw * NUM_EXPERTS
        pltpu.sync_copy(logits_hbm.at[pl.ds(base, tpw * NUM_EXPERTS)], lg_v)
        for k in range(tpw * NUM_EXPERTS // LANES):
            cf_v[pl.ds(k * LANES, LANES)] = jnp.zeros((LANES,), jnp.float32)
        lane = lax.broadcasted_iota(jnp.int32, (LANES,), 0)
        for g in range(groups):
            row0 = (g * LANES + lane) * NUM_EXPERTS
            l1 = plsc.load_gather(lg_v, [row0])
            i1 = jnp.zeros((LANES,), jnp.int32)
            l2 = jnp.full((LANES,), -jnp.inf, jnp.float32)
            i2 = jnp.zeros((LANES,), jnp.int32)
            for e in range(1, NUM_EXPERTS):
                v = plsc.load_gather(lg_v, [row0 + e])
                ev = jnp.full((LANES,), e, jnp.int32)
                gt1 = v > l1
                gt2 = v > l2
                new_l2 = jnp.where(gt1, l1, jnp.where(gt2, v, l2))
                new_i2 = jnp.where(gt1, i1, jnp.where(gt2, ev, i2))
                l1 = jnp.where(gt1, v, l1)
                i1 = jnp.where(gt1, ev, i1)
                l2 = new_l2
                i2 = new_i2
            r = jnp.exp(l2 - l1)
            c1 = 1.0 / (1.0 + r)
            c2 = r * c1
            plsc.store_scatter(cf_v, [row0 + i1], c1)
            plsc.store_scatter(cf_v, [row0 + i2], c2)
        pltpu.sync_copy(cf_v, coef_hbm.at[pl.ds(base, tpw * NUM_EXPERTS)])

    return _route


def _moe_block(x_ref, coef_ref, w1_ref, b1_ref, w2_ref, b2_ref, out_ref):
    xb = x_ref[...]
    coef = coef_ref[...]

    ei = lax.broadcasted_iota(jnp.int32, (NUM_EXPERTS, EH), 0)
    hi = lax.broadcasted_iota(jnp.int32, (NUM_EXPERTS, EH), 1)
    expand = (ei == (hi >> 7)).astype(jnp.float32)
    ce = jnp.dot(coef, expand, preferred_element_type=jnp.float32)

    h = jnp.dot(xb.astype(jnp.bfloat16), w1_ref[...],
                preferred_element_type=jnp.float32)
    h = jnp.maximum(h + b1_ref[...], 0.0)
    acc = jnp.dot((h * ce).astype(jnp.bfloat16), w2_ref[...],
                  preferred_element_type=jnp.float32)
    acc = acc + jnp.dot(coef, b2_ref[...], preferred_element_type=jnp.float32)
    out_ref[...] = acc


def kernel(x, gate_W, gate_b, W1, b1, W2, b2):
    batch, seq, d = x.shape
    x_flat = x.reshape(-1, d)
    t = x_flat.shape[0]
    w1a = W1.transpose(1, 0, 2).reshape(D_MODEL, EH).astype(jnp.bfloat16)
    b1a = b1.reshape(1, EH)
    w2a = W2.reshape(EH, D_MODEL)
    grid = (t // TOKEN_BLOCK,)

    logits = pl.pallas_call(
        _gating_block,
        grid=grid,
        in_specs=[
            pl.BlockSpec((TOKEN_BLOCK, D_MODEL), lambda i: (i, 0)),
            pl.BlockSpec((D_MODEL, NUM_EXPERTS), lambda i: (0, 0)),
            pl.BlockSpec((1, NUM_EXPERTS), lambda i: (0, 0)),
        ],
        out_specs=pl.BlockSpec((TOKEN_BLOCK, NUM_EXPERTS), lambda i: (i, 0)),
        out_shape=jax.ShapeDtypeStruct((t, NUM_EXPERTS), jnp.float32),
        compiler_params=pltpu.CompilerParams(
            dimension_semantics=("parallel",),
        ),
    )(x_flat, gate_W, gate_b.reshape(1, -1))

    coef = _make_router(t)(logits.reshape(-1)).reshape(t, NUM_EXPERTS)

    out = pl.pallas_call(
        _moe_block,
        grid=grid,
        in_specs=[
            pl.BlockSpec((TOKEN_BLOCK, D_MODEL), lambda i: (i, 0)),
            pl.BlockSpec((TOKEN_BLOCK, NUM_EXPERTS), lambda i: (i, 0)),
            pl.BlockSpec((D_MODEL, EH), lambda i: (0, 0)),
            pl.BlockSpec((1, EH), lambda i: (0, 0)),
            pl.BlockSpec((EH, D_MODEL), lambda i: (0, 0)),
            pl.BlockSpec((NUM_EXPERTS, D_MODEL), lambda i: (0, 0)),
        ],
        out_specs=pl.BlockSpec((TOKEN_BLOCK, D_MODEL), lambda i: (i, 0)),
        out_shape=jax.ShapeDtypeStruct((t, D_MODEL), jnp.float32),
        compiler_params=pltpu.CompilerParams(
            dimension_semantics=("parallel",),
        ),
    )(x_flat, coef, w1a, b1a, w2a.astype(jnp.bfloat16), b2)
    return out.reshape(batch, seq, d)

# --- scband reference (transcript-rebuilt; emitter-appended) ---
"""Pipeline reference for scband-sparse-mo-elayer-89343909691603 (READ-ONLY COPY).

The authoritative reference and input builder live on the scoring server;
editing this copy changes nothing except your own understanding.
"""

import jax, jax.numpy as jnp
import numpy as np

D_MODEL = 768
NUM_EXPERTS = 8
TOP_K = 2
EXPERT_DIM = 128
B, S = 1, 2048


def setup_inputs(seed: int = 0) -> dict:
    key = jax.random.key(seed)
    ks = [jax.random.fold_in(key, i) for i in range(8)]
    x = jax.random.normal(ks[0], (B, S, D_MODEL), dtype=jnp.float32)
    lim_g = 1.0 / np.sqrt(D_MODEL)
    gate_W = jax.random.uniform(ks[1], (D_MODEL, NUM_EXPERTS), jnp.float32, -lim_g, lim_g)
    gate_b = jax.random.uniform(ks[2], (NUM_EXPERTS,), jnp.float32, -lim_g, lim_g)
    lim1 = 1.0 / np.sqrt(D_MODEL)
    W1 = jax.random.uniform(ks[3], (NUM_EXPERTS, D_MODEL, EXPERT_DIM), jnp.float32, -lim1, lim1)
    b1 = jax.random.uniform(ks[4], (NUM_EXPERTS, EXPERT_DIM), jnp.float32, -lim1, lim1)
    lim2 = 1.0 / np.sqrt(EXPERT_DIM)
    W2 = jax.random.uniform(ks[5], (NUM_EXPERTS, EXPERT_DIM, D_MODEL), jnp.float32, -lim2, lim2)
    b2 = jax.random.uniform(ks[6], (NUM_EXPERTS, D_MODEL), jnp.float32, -lim2, lim2)
    return {"x": x, "gate_W": gate_W, "gate_b": gate_b, "W1": W1, "b1": b1, "W2": W2, "b2": b2}


def reference(x, gate_W, gate_b, W1, b1, W2, b2):
    batch_size, seq_len, d_model = x.shape
    x_flat = x.reshape(-1, d_model)
    gate_logits = x_flat @ gate_W + gate_b
    gate_probs = jax.nn.softmax(gate_logits, axis=-1)
    topk_weights, topk_indices = jax.lax.top_k(gate_probs, TOP_K)
    topk_weights = topk_weights / (jnp.sum(topk_weights, axis=-1, keepdims=True) + 1e-09)
    # Compute every expert's MLP for every token (same math as per-token expert
    # dispatch; unselected experts get zero combine weight).
    h = jnp.einsum('td,edh->teh', x_flat, W1) + b1[None, :, :]
    h = jax.nn.relu(h)
    y = jnp.einsum('teh,ehd->ted', h, W2) + b2[None, :, :]  # [T, E, D]
    sel = jnp.take_along_axis(y, topk_indices[:, :, None], axis=1)  # [T, k, D]
    out_flat = jnp.sum(topk_weights[:, :, None] * sel, axis=1)
    return out_flat.reshape(batch_size, seq_len, d_model)

if __name__ == "__main__":
    import jax
    _d = setup_inputs()
    print(jax.jit(kernel)(*tuple(_d.values())))

</pallas_src>

<mosaic_0001>
#map = affine_map<(d0, d1) -> (0)>
module attributes {stable_mosaic.version = 14 : i64} {
  func.func @_route(%arg0: i32, %arg1: i32, %arg2: memref<16384xf32, #tpu.memory_space<hbm>>, %arg3: memref<16384xf32, #tpu.memory_space<hbm>>, %arg4: memref<512xf32, #tpu.memory_space<vmem>>, %arg5: memref<512xf32, #tpu.memory_space<vmem>>) attributes {dimension_semantics = [#tpu.dimension_semantics<core_parallel>, #tpu.dimension_semantics<subcore_parallel>], iteration_bounds = array<i64: 2, 16>, scalar_prefetch = 0 : i64, scratch_operands = 2 : i64, tpu.core_type = #tpu.core_type<sc_vector_subcore>, window_params = [{transform_indices = #map}, {transform_indices = #map}]} {
    %mul3A = arith.constant 2 : i32
    %mul3A_0 = arith.muli %arg1, %mul3A : i32
    %add3A = arith.addi %mul3A_0, %arg0 : i32
    %mul3A_1 = arith.constant 64 : i32
    %mul3A_2 = arith.muli %add3A, %mul3A_1 : i32
    %mul3A_3 = arith.constant 8 : i32
    %mul3A_4 = arith.muli %mul3A_2, %mul3A_3 : i32
    "tpu.region"() ({
      %run_scoped3A = tpu.sem_alloc : memref<!tpu.dma_semaphore, #tpu.memory_space<semaphore_mem>>
      %dma_start3A = tpu.memref_slice %arg2[%mul3A_4] : memref<16384xf32, #tpu.memory_space<hbm>> -> memref<512xf32, #tpu.memory_space<hbm>>
      %dma_start3A_613 = tpu.memref_slice %arg2[%mul3A_4] : memref<16384xf32, #tpu.memory_space<hbm>> -> memref<512xf32, #tpu.memory_space<hbm>>
      tpu.enqueue_dma source(%dma_start3A_613 : memref<512xf32, #tpu.memory_space<hbm>>) target(%arg4 : memref<512xf32, #tpu.memory_space<vmem>>) target_semaphore(%run_scoped3A : memref<!tpu.dma_semaphore, #tpu.memory_space<semaphore_mem>>)
      %dma_wait3A = tpu.memref_slice %arg2[%mul3A_4] : memref<16384xf32, #tpu.memory_space<hbm>> -> memref<512xf32, #tpu.memory_space<hbm>>
      %dma_wait3A_614 = tpu.memref_slice %arg2[%mul3A_4] : memref<16384xf32, #tpu.memory_space<hbm>> -> memref<512xf32, #tpu.memory_space<hbm>>
      tpu.wait_dma2 semaphore(%run_scoped3A : memref<!tpu.dma_semaphore, #tpu.memory_space<semaphore_mem>>) src(%dma_wait3A_614 : memref<512xf32, #tpu.memory_space<hbm>>) dst(%arg4 : memref<512xf32, #tpu.memory_space<vmem>>)
      tpu.yield
    }) : () -> ()
    %broadcast_in_dim3A = arith.constant 0.000000e+00 : f32
    %broadcast_in_dim3A_5 = vector.broadcast %broadcast_in_dim3A : f32 to vector<16xf32>
    %swap3A = arith.constant 0 : index
    %swap3A_6 = tpu.vector_load %arg5[%swap3A] {strides = array<i32>} : memref<512xf32, #tpu.memory_space<vmem>>, vector<16xf32>,
    tpu.vector_store %arg5[%swap3A], %broadcast_in_dim3A_5 {strides = array<i32>} : memref<512xf32, #tpu.memory_space<vmem>>, vector<16xf32>,
    %broadcast_in_dim3A_7 = arith.constant 0.000000e+00 : f32
    %broadcast_in_dim3A_8 = vector.broadcast %broadcast_in_dim3A_7 : f32 to vector<16xf32>
    %swap3A_9 = arith.constant 16 : index
    %swap3A_10 = tpu.vector_load %arg5[%swap3A_9] {strides = array<i32>} : memref<512xf32, #tpu.memory_space<vmem>>, vector<16xf32>,
    tpu.vector_store %arg5[%swap3A_9], %broadcast_in_dim3A_8 {strides = array<i32>} : memref<512xf32, #tpu.memory_space<vmem>>, vector<16xf32>,
    %broadcast_in_dim3A_11 = arith.constant 0.000000e+00 : f32
    %broadcast_in_dim3A_12 = vector.broadcast %broadcast_in_dim3A_11 : f32 to vector<16xf32>
    %swap3A_13 = arith.constant 32 : index
    %swap3A_14 = tpu.vector_load %arg5[%swap3A_13] {strides = array<i32>} : memref<512xf32, #tpu.memory_space<vmem>>, vector<16xf32>,
    tpu.vector_store %arg5[%swap3A_13], %broadcast_in_dim3A_12 {strides = array<i32>} : memref<512xf32, #tpu.memory_space<vmem>>, vector<16xf32>,
    %broadcast_in_dim3A_15 = arith.constant 0.000000e+00 : f32
    %broadcast_in_dim3A_16 = vector.broadcast %broadcast_in_dim3A_15 : f32 to vector<16xf32>
    %swap3A_17 = arith.constant 48 : index
    %swap3A_18 = tpu.vector_load %arg5[%swap3A_17] {strides = array<i32>} : memref<512xf32, #tpu.memory_space<vmem>>, vector<16xf32>,
    tpu.vector_store %arg5[%swap3A_17], %broadcast_in_dim3A_16 {strides = array<i32>} : memref<512xf32, #tpu.memory_space<vmem>>, vector<16xf32>,
    %broadcast_in_dim3A_19 = arith.constant 0.000000e+00 : f32
    %broadcast_in_dim3A_20 = vector.broadcast %broadcast_in_dim3A_19 : f32 to vector<16xf32>
    %swap3A_21 = arith.constant 64 : index
    %swap3A_22 = tpu.vector_load %arg5[%swap3A_21] {strides = array<i32>} : memref<512xf32, #tpu.memory_space<vmem>>, vector<16xf32>,
    tpu.vector_store %arg5[%swap3A_21], %broadcast_in_dim3A_20 {strides = array<i32>} : memref<512xf32, #tpu.memory_space<vmem>>, vector<16xf32>,
    %broadcast_in_dim3A_23 = arith.constant 0.000000e+00 : f32
    %broadcast_in_dim3A_24 = vector.broadcast %broadcast_in_dim3A_23 : f32 to vector<16xf32>
    %swap3A_25 = arith.constant 80 : index
    %swap3A_26 = tpu.vector_load %arg5[%swap3A_25] {strides = array<i32>} : memref<512xf32, #tpu.memory_space<vmem>>, vector<16xf32>,
    tpu.vector_store %arg5[%swap3A_25], %broadcast_in_dim3A_24 {strides = array<i32>} : memref<512xf32, #tpu.memory_space<vmem>>, vector<16xf32>,
    %broadcast_in_dim3A_27 = arith.constant 0.000000e+00 : f32
    %broadcast_in_dim3A_28 = vector.broadcast %broadcast_in_dim3A_27 : f32 to vector<16xf32>
    %swap3A_29 = arith.constant 96 : index
    %swap3A_30 = tpu.vector_load %arg5[%swap3A_29] {strides = array<i32>} : memref<512xf32, #tpu.memory_space<vmem>>, vector<16xf32>,
    tpu.vector_store %arg5[%swap3A_29], %broadcast_in_dim3A_28 {strides = array<i32>} : memref<512xf32, #tpu.memory_space<vmem>>, vector<16xf32>,
    %broadcast_in_dim3A_31 = arith.constant 0.000000e+00 : f32
    %broadcast_in_dim3A_32 = vector.broadcast %broadcast_in_dim3A_31 : f32 to vector<16xf32>
    %swap3A_33 = arith.constant 112 : index
    %swap3A_34 = tpu.vector_load %arg5[%swap3A_33] {strides = array<i32>} : memref<512xf32, #tpu.memory_space<vmem>>, vector<16xf32>,
    tpu.vector_store %arg5[%swap3A_33], %broadcast_in_dim3A_32 {strides = array<i32>} : memref<512xf32, #tpu.memory_space<vmem>>, vector<16xf32>,
    %broadcast_in_dim3A_35 = arith.constant 0.000000e+00 : f32
    %broadcast_in_dim3A_36 = vector.broadcast %broadcast_in_dim3A_35 : f32 to vector<16xf32>
    %swap3A_37 = arith.constant 128 : index
    %swap3A_38 = tpu.vector_load %arg5[%swap3A_37] {strides = array<i32>} : memref<512xf32, #tpu.memory_space<vmem>>, vector<16xf32>,
    tpu.vector_store %arg5[%swap3A_37], %broadcast_in_dim3A_36 {strides = array<i32>} : memref<512xf32, #tpu.memory_space<vmem>>, vector<16xf32>,
    %broadcast_in_dim3A_39 = arith.constant 0.000000e+00 : f32
    %broadcast_in_dim3A_40 = vector.broadcast %broadcast_in_dim3A_39 : f32 to vector<16xf32>
    %swap3A_41 = arith.constant 144 : index
    %swap3A_42 = tpu.vector_load %arg5[%swap3A_41] {strides = array<i32>} : memref<512xf32, #tpu.memory_space<vmem>>, vector<16xf32>,
    tpu.vector_store %arg5[%swap3A_41], %broadcast_in_dim3A_40 {strides = array<i32>} : memref<512xf32, #tpu.memory_space<vmem>>, vector<16xf32>,
    %broadcast_in_dim3A_43 = arith.constant 0.000000e+00 : f32
    %broadcast_in_dim3A_44 = vector.broadcast %broadcast_in_dim3A_43 : f32 to vector<16xf32>
    %swap3A_45 = arith.constant 160 : index
    %swap3A_46 = tpu.vector_load %arg5[%swap3A_45] {strides = array<i32>} : memref<512xf32, #tpu.memory_space<vmem>>, vector<16xf32>,
    tpu.vector_store %arg5[%swap3A_45], %broadcast_in_dim3A_44 {strides = array<i32>} : memref<512xf32, #tpu.memory_space<vmem>>, vector<16xf32>,
    %broadcast_in_dim3A_47 = arith.constant 0.000000e+00 : f32
    %broadcast_in_dim3A_48 = vector.broadcast %broadcast_in_dim3A_47 : f32 to vector<16xf32>
    %swap3A_49 = arith.constant 176 : index
    %swap3A_50 = tpu.vector_load %arg5[%swap3A_49] {strides = array<i32>} : memref<512xf32, #tpu.memory_space<vmem>>, vector<16xf32>,
    tpu.vector_store %arg5[%swap3A_49], %broadcast_in_dim3A_48 {strides = array<i32>} : memref<512xf32, #tpu.memory_space<vmem>>, vector<16xf32>,
    %broadcast_in_dim3A_51 = arith.constant 0.000000e+00 : f32
    %broadcast_in_dim3A_52 = vector.broadcast %broadcast_in_dim3A_51 : f32 to vector<16xf32>
    %swap3A_53 = arith.constant 192 : index
    %swap3A_54 = tpu.vector_load %arg5[%swap3A_53] {strides = array<i32>} : memref<512xf32, #tpu.memory_space<vmem>>, vector<16xf32>,
    tpu.vector_store %arg5[%swap3A_53], %broadcast_in_dim3A_52 {strides = array<i32>} : memref<512xf32, #tpu.memory_space<vmem>>, vector<16xf32>,
    %broadcast_in_dim3A_55 = arith.constant 0.000000e+00 : f32
    %broadcast_in_dim3A_56 = vector.broadcast %broadcast_in_dim3A_55 : f32 to vector<16xf32>
    %swap3A_57 = arith.constant 208 : index
    %swap3A_58 = tpu.vector_load %arg5[%swap3A_57] {strides = array<i32>} : memref<512xf32, #tpu.memory_space<vmem>>, vector<16xf32>,
    tpu.vector_store %arg5[%swap3A_57], %broadcast_in_dim3A_56 {strides = array<i32>} : memref<512xf32, #tpu.memory_space<vmem>>, vector<16xf32>,
    %broadcast_in_dim3A_59 = arith.constant 0.000000e+00 : f32
    %broadcast_in_dim3A_60 = vector.broadcast %broadcast_in_dim3A_59 : f32 to vector<16xf32>
    %swap3A_61 = arith.constant 224 : index
    %swap3A_62 = tpu.vector_load %arg5[%swap3A_61] {strides = array<i32>} : memref<512xf32, #tpu.memory_space<vmem>>, vector<16xf32>,
    tpu.vector_store %arg5[%swap3A_61], %broadcast_in_dim3A_60 {strides = array<i32>} : memref<512xf32, #tpu.memory_space<vmem>>, vector<16xf32>,
    %broadcast_in_dim3A_63 = arith.constant 0.000000e+00 : f32
    %broadcast_in_dim3A_64 = vector.broadcast %broadcast_in_dim3A_63 : f32 to vector<16xf32>
    %swap3A_65 = arith.constant 240 : index
    %swap3A_66 = tpu.vector_load %arg5[%swap3A_65] {strides = array<i32>} : memref<512xf32, #tpu.memory_space<vmem>>, vector<16xf32>,
    tpu.vector_store %arg5[%swap3A_65], %broadcast_in_dim3A_64 {strides = array<i32>} : memref<512xf32, #tpu.memory_space<vmem>>, vector<16xf32>,
    %broadcast_in_dim3A_67 = arith.constant 0.000000e+00 : f32
    %broadcast_in_dim3A_68 = vector.broadcast %broadcast_in_dim3A_67 : f32 to vector<16xf32>
    %swap3A_69 = arith.constant 256 : index
    %swap3A_70 = tpu.vector_load %arg5[%swap3A_69] {strides = array<i32>} : memref<512xf32, #tpu.memory_space<vmem>>, vector<16xf32>,
    tpu.vector_store %arg5[%swap3A_69], %broadcast_in_dim3A_68 {strides = array<i32>} : memref<512xf32, #tpu.memory_space<vmem>>, vector<16xf32>,
    %broadcast_in_dim3A_71 = arith.constant 0.000000e+00 : f32
    %broadcast_in_dim3A_72 = vector.broadcast %broadcast_in_dim3A_71 : f32 to vector<16xf32>
    %swap3A_73 = arith.constant 272 : index
    %swap3A_74 = tpu.vector_load %arg5[%swap3A_73] {strides = array<i32>} : memref<512xf32, #tpu.memory_space<vmem>>, vector<16xf32>,
    tpu.vector_store %arg5[%swap3A_73], %broadcast_in_dim3A_72 {strides = array<i32>} : memref<512xf32, #tpu.memory_space<vmem>>, vector<16xf32>,
    %broadcast_in_dim3A_75 = arith.constant 0.000000e+00 : f32
    %broadcast_in_dim3A_76 = vector.broadcast %broadcast_in_dim3A_75 : f32 to vector<16xf32>
    %swap3A_77 = arith.constant 288 : index
    %swap3A_78 = tpu.vector_load %arg5[%swap3A_77] {strides = array<i32>} : memref<512xf32, #tpu.memory_space<vmem>>, vector<16xf32>,
    tpu.vector_store %arg5[%swap3A_77], %broadcast_in_dim3A_76 {strides = array<i32>} : memref<512xf32, #tpu.memory_space<vmem>>, vector<16xf32>,
    %broadcast_in_dim3A_79 = arith.constant 0.000000e+00 : f32
    %broadcast_in_dim3A_80 = vector.broadcast %broadcast_in_dim3A_79 : f32 to vector<16xf32>
    %swap3A_81 = arith.constant 304 : index
    %swap3A_82 = tpu.vector_load %arg5[%swap3A_81] {strides = array<i32>} : memref<512xf32, #tpu.memory_space<vmem>>, vector<16xf32>,
    tpu.vector_store %arg5[%swap3A_81], %broadcast_in_dim3A_80 {strides = array<i32>} : memref<512xf32, #tpu.memory_space<vmem>>, vector<16xf32>,
    %broadcast_in_dim3A_83 = arith.constant 0.000000e+00 : f32
    %broadcast_in_dim3A_84 = vector.broadcast %broadcast_in_dim3A_83 : f32 to vector<16xf32>
    %swap3A_85 = arith.constant 320 : index
    %swap3A_86 = tpu.vector_load %arg5[%swap3A_85] {strides = array<i32>} : memref<512xf32, #tpu.memory_space<vmem>>, vector<16xf32>,
    tpu.vector_store %arg5[%swap3A_85], %broadcast_in_dim3A_84 {strides = array<i32>} : memref<512xf32, #tpu.memory_space<vmem>>, vector<16xf32>,
    %broadcast_in_dim3A_87 = arith.constant 0.000000e+00 : f32
    %broadcast_in_dim3A_88 = vector.broadcast %broadcast_in_dim3A_87 : f32 to vector<16xf32>
    %swap3A_89 = arith.constant 336 : index
    %swap3A_90 = tpu.vector_load %arg5[%swap3A_89] {strides = array<i32>} : memref<512xf32, #tpu.memory_space<vmem>>, vector<16xf32>,
    tpu.vector_store %arg5[%swap3A_89], %broadcast_in_dim3A_88 {strides = array<i32>} : memref<512xf32, #tpu.memory_space<vmem>>, vector<16xf32>,
    %broadcast_in_dim3A_91 = arith.constant 0.000000e+00 : f32
    %broadcast_in_dim3A_92 = vector.broadcast %broadcast_in_dim3A_91 : f32 to vector<16xf32>
    %swap3A_93 = arith.constant 352 : index
    %swap3A_94 = tpu.vector_load %arg5[%swap3A_93] {strides = array<i32>} : memref<512xf32, #tpu.memory_space<vmem>>, vector<16xf32>,
    tpu.vector_store %arg5[%swap3A_93], %broadcast_in_dim3A_92 {strides = array<i32>} : memref<512xf32, #tpu.memory_space<vmem>>, vector<16xf32>,
    %broadcast_in_dim3A_95 = arith.constant 0.000000e+00 : f32
    %broadcast_in_dim3A_96 = vector.broadcast %broadcast_in_dim3A_95 : f32 to vector<16xf32>
    %swap3A_97 = arith.constant 368 : index
    %swap3A_98 = tpu.vector_load %arg5[%swap3A_97] {strides = array<i32>} : memref<512xf32, #tpu.memory_space<vmem>>, vector<16xf32>,
    tpu.vector_store %arg5[%swap3A_97], %broadcast_in_dim3A_96 {strides = array<i32>} : memref<512xf32, #tpu.memory_space<vmem>>, vector<16xf32>,
    %broadcast_in_dim3A_99 = arith.constant 0.000000e+00 : f32
    %broadcast_in_dim3A_100 = vector.broadcast %broadcast_in_dim3A_99 : f32 to vector<16xf32>
    %swap3A_101 = arith.constant 384 : index
    %swap3A_102 = tpu.vector_load %arg5[%swap3A_101] {strides = array<i32>} : memref<512xf32, #tpu.memory_space<vmem>>, vector<16xf32>,
    tpu.vector_store %arg5[%swap3A_101], %broadcast_in_dim3A_100 {strides = array<i32>} : memref<512xf32, #tpu.memory_space<vmem>>, vector<16xf32>,
    %broadcast_in_dim3A_103 = arith.constant 0.000000e+00 : f32
    %broadcast_in_dim3A_104 = vector.broadcast %broadcast_in_dim3A_103 : f32 to vector<16xf32>
    %swap3A_105 = arith.constant 400 : index
    %swap3A_106 = tpu.vector_load %arg5[%swap3A_105] {strides = array<i32>} : memref<512xf32, #tpu.memory_space<vmem>>, vector<16xf32>,
    tpu.vector_store %arg5[%swap3A_105], %broadcast_in_dim3A_104 {strides = array<i32>} : memref<512xf32, #tpu.memory_space<vmem>>, vector<16xf32>,
    %broadcast_in_dim3A_107 = arith.constant 0.000000e+00 : f32
    %broadcast_in_dim3A_108 = vector.broadcast %broadcast_in_dim3A_107 : f32 to vector<16xf32>
    %swap3A_109 = arith.constant 416 : index
    %swap3A_110 = tpu.vector_load %arg5[%swap3A_109] {strides = array<i32>} : memref<512xf32, #tpu.memory_space<vmem>>, vector<16xf32>,
    tpu.vector_store %arg5[%swap3A_109], %broadcast_in_dim3A_108 {strides = array<i32>} : memref<512xf32, #tpu.memory_space<vmem>>, vector<16xf32>,
    %broadcast_in_dim3A_111 = arith.constant 0.000000e+00 : f32
    %broadcast_in_dim3A_112 = vector.broadcast %broadcast_in_dim3A_111 : f32 to vector<16xf32>
    %swap3A_113 = arith.constant 432 : index
    %swap3A_114 = tpu.vector_load %arg5[%swap3A_113] {strides = array<i32>} : memref<512xf32, #tpu.memory_space<vmem>>, vector<16xf32>,
    tpu.vector_store %arg5[%swap3A_113], %broadcast_in_dim3A_112 {strides = array<i32>} : memref<512xf32, #tpu.memory_space<vmem>>, vector<16xf32>,
    %broadcast_in_dim3A_115 = arith.constant 0.000000e+00 : f32
    %broadcast_in_dim3A_116 = vector.broadcast %broadcast_in_dim3A_115 : f32 to vector<16xf32>
    %swap3A_117 = arith.constant 448 : index
    %swap3A_118 = tpu.vector_load %arg5[%swap3A_117] {strides = array<i32>} : memref<512xf32, #tpu.memory_space<vmem>>, vector<16xf32>,
    tpu.vector_store %arg5[%swap3A_117], %broadcast_in_dim3A_116 {strides = array<i32>} : memref<512xf32, #tpu.memory_space<vmem>>, vector<16xf32>,
    %broadcast_in_dim3A_119 = arith.constant 0.000000e+00 : f32
    %broadcast_in_dim3A_120 = vector.broadcast %broadcast_in_dim3A_119 : f32 to vector<16xf32>
    %swap3A_121 = arith.constant 464 : index
    %swap3A_122 = tpu.vector_load %arg5[%swap3A_121] {strides = array<i32>} : memref<512xf32, #tpu.memory_space<vmem>>, vector<16xf32>,
    tpu.vector_store %arg5[%swap3A_121], %broadcast_in_dim3A_120 {strides = array<i32>} : memref<512xf32, #tpu.memory_space<vmem>>, vector<16xf32>,
    %broadcast_in_dim3A_123 = arith.constant 0.000000e+00 : f32
    %broadcast_in_dim3A_124 = vector.broadcast %broadcast_in_dim3A_123 : f32 to vector<16xf32>
    %swap3A_125 = arith.constant 480 : index
    %swap3A_126 = tpu.vector_load %arg5[%swap3A_125] {strides = array<i32>} : memref<512xf32, #tpu.memory_space<vmem>>, vector<16xf32>,
    tpu.vector_store %arg5[%swap3A_125], %broadcast_in_dim3A_124 {strides = array<i32>} : memref<512xf32, #tpu.memory_space<vmem>>, vector<16xf32>,
    %broadcast_in_dim3A_127 = arith.constant 0.000000e+00 : f32
    %broadcast_in_dim3A_128 = vector.broadcast %broadcast_in_dim3A_127 : f32 to vector<16xf32>
    %swap3A_129 = arith.constant 496 : index
    %swap3A_130 = tpu.vector_load %arg5[%swap3A_129] {strides = array<i32>} : memref<512xf32, #tpu.memory_space<vmem>>, vector<16xf32>,
    tpu.vector_store %arg5[%swap3A_129], %broadcast_in_dim3A_128 {strides = array<i32>} : memref<512xf32, #tpu.memory_space<vmem>>, vector<16xf32>,
    %iota3A = tpu.iota {dimensions = array<i32: 0>} : vector<16xi32>
    %add3A_131 = arith.constant 0 : i32
    %add3A_132 = vector.broadcast %add3A_131 : i32 to vector<16xi32>
    %add3A_133 = arith.addi %add3A_132, %iota3A : vector<16xi32>
    %mul3A_134 = arith.constant 8 : i32
    %mul3A_135 = vector.broadcast %mul3A_134 : i32 to vector<16xi32>
    %mul3A_136 = arith.muli %add3A_133, %mul3A_135 : vector<16xi32>
    %gather3A = tpu.vector_load_idx %arg4[%mul3A_136] : memref<512xf32, #tpu.memory_space<vmem>>[vector<16xi32>], vector<16xf32>,
    %broadcast_in_dim3A_137 = arith.constant 0 : i32
    %broadcast_in_dim3A_138 = vector.broadcast %broadcast_in_dim3A_137 : i32 to vector<16xi32>
    %broadcast_in_dim3A_139 = arith.constant 0xFF800000 : f32
    %broadcast_in_dim3A_140 = vector.broadcast %broadcast_in_dim3A_139 : f32 to vector<16xf32>
    %broadcast_in_dim3A_141 = arith.constant 0 : i32
    %broadcast_in_dim3A_142 = vector.broadcast %broadcast_in_dim3A_141 : i32 to vector<16xi32>
    %add3A_143 = arith.constant 1 : i32
    %add3A_144 = vector.broadcast %add3A_143 : i32 to vector<16xi32>
    %add3A_145 = arith.addi %mul3A_136, %add3A_144 : vector<16xi32>
    %gather3A_146 = tpu.vector_load_idx %arg4[%add3A_145] : memref<512xf32, #tpu.memory_space<vmem>>[vector<16xi32>], vector<16xf32>,
    %broadcast_in_dim3A_147 = arith.constant 1 : i32
    %broadcast_in_dim3A_148 = vector.broadcast %broadcast_in_dim3A_147 : i32 to vector<16xi32>
    %gt3A = arith.cmpf ogt, %gather3A_146, %gather3A : vector<16xf32>
    %gt3A_149 = arith.cmpf ogt, %gather3A_146, %broadcast_in_dim3A_140 : vector<16xf32>
    %select_n3A = arith.select %gt3A_149, %gather3A_146, %broadcast_in_dim3A_140 : vector<16xi1>, vector<16xf32>
    %select_n3A_150 = arith.select %gt3A, %gather3A, %select_n3A : vector<16xi1>, vector<16xf32>
    %select_n3A_151 = arith.select %gt3A_149, %broadcast_in_dim3A_148, %broadcast_in_dim3A_142 : vector<16xi1>, vector<16xi32>
    %select_n3A_152 = arith.select %gt3A, %broadcast_in_dim3A_138, %select_n3A_151 : vector<16xi1>, vector<16xi32>
    %select_n3A_153 = arith.select %gt3A, %gather3A_146, %gather3A : vector<16xi1>, vector<16xf32>
    %select_n3A_154 = arith.select %gt3A, %broadcast_in_dim3A_148, %broadcast_in_dim3A_138 : vector<16xi1>, vector<16xi32>
    %add3A_155 = arith.constant 2 : i32
    %add3A_156 = vector.broadcast %add3A_155 : i32 to vector<16xi32>
    %add3A_157 = arith.addi %mul3A_136, %add3A_156 : vector<16xi32>
    %gather3A_158 = tpu.vector_load_idx %arg4[%add3A_157] : memref<512xf32, #tpu.memory_space<vmem>>[vector<16xi32>], vector<16xf32>,
    %broadcast_in_dim3A_159 = arith.constant 2 : i32
    %broadcast_in_dim3A_160 = vector.broadcast %broadcast_in_dim3A_159 : i32 to vector<16xi32>
    %gt3A_161 = arith.cmpf ogt, %gather3A_158, %select_n3A_153 : vector<16xf32>
    %gt3A_162 = arith.cmpf ogt, %gather3A_158, %select_n3A_150 : vector<16xf32>
    %select_n3A_163 = arith.select %gt3A_162, %gather3A_158, %select_n3A_150 : vector<16xi1>, vector<16xf32>
    %select_n3A_164 = arith.select %gt3A_161, %select_n3A_153, %select_n3A_163 : vector<16xi1>, vector<16xf32>
    %select_n3A_165 = arith.select %gt3A_162, %broadcast_in_dim3A_160, %select_n3A_152 : vector<16xi1>, vector<16xi32>
    %select_n3A_166 = arith.select %gt3A_161, %select_n3A_154, %select_n3A_165 : vector<16xi1>, vector<16xi32>
    %select_n3A_167 = arith.select %gt3A_161, %gather3A_158, %select_n3A_153 : vector<16xi1>, vector<16xf32>
    %select_n3A_168 = arith.select %gt3A_161, %broadcast_in_dim3A_160, %select_n3A_154 : vector<16xi1>, vector<16xi32>
    %add3A_169 = arith.constant 3 : i32
    %add3A_170 = vector.broadcast %add3A_169 : i32 to vector<16xi32>
    %add3A_171 = arith.addi %mul3A_136, %add3A_170 : vector<16xi32>
    %gather3A_172 = tpu.vector_load_idx %arg4[%add3A_171] : memref<512xf32, #tpu.memory_space<vmem>>[vector<16xi32>], vector<16xf32>,
    %broadcast_in_dim3A_173 = arith.constant 3 : i32
    %broadcast_in_dim3A_174 = vector.broadcast %broadcast_in_dim3A_173 : i32 to vector<16xi32>
    %gt3A_175 = arith.cmpf ogt, %gather3A_172, %select_n3A_167 : vector<16xf32>
    %gt3A_176 = arith.cmpf ogt, %gather3A_172, %select_n3A_164 : vector<16xf32>
    %select_n3A_177 = arith.select %gt3A_176, %gather3A_172, %select_n3A_164 : vector<16xi1>, vector<16xf32>
    %select_n3A_178 = arith.select %gt3A_175, %select_n3A_167, %select_n3A_177 : vector<16xi1>, vector<16xf32>
    %select_n3A_179 = arith.select %gt3A_176, %broadcast_in_dim3A_174, %select_n3A_166 : vector<16xi1>, vector<16xi32>
    %select_n3A_180 = arith.select %gt3A_175, %select_n3A_168, %select_n3A_179 : vector<16xi1>, vector<16xi32>
    %select_n3A_181 = arith.select %gt3A_175, %gather3A_172, %select_n3A_167 : vector<16xi1>, vector<16xf32>
    %select_n3A_182 = arith.select %gt3A_175, %broadcast_in_dim3A_174, %select_n3A_168 : vector<16xi1>, vector<16xi32>
    %add3A_183 = arith.constant 4 : i32
    %add3A_184 = vector.broadcast %add3A_183 : i32 to vector<16xi32>
    %add3A_185 = arith.addi %mul3A_136, %add3A_184 : vector<16xi32>
    %gather3A_186 = tpu.vector_load_idx %arg4[%add3A_185] : memref<512xf32, #tpu.memory_space<vmem>>[vector<16xi32>], vector<16xf32>,
    %broadcast_in_dim3A_187 = arith.constant 4 : i32
    %broadcast_in_dim3A_188 = vector.broadcast %broadcast_in_dim3A_187 : i32 to vector<16xi32>
    %gt3A_189 = arith.cmpf ogt, %gather3A_186, %select_n3A_181 : vector<16xf32>
    %gt3A_190 = arith.cmpf ogt, %gather3A_186, %select_n3A_178 : vector<16xf32>
    %select_n3A_191 = arith.select %gt3A_190, %gather3A_186, %select_n3A_178 : vector<16xi1>, vector<16xf32>
    %select_n3A_192 = arith.select %gt3A_189, %select_n3A_181, %select_n3A_191 : vector<16xi1>, vector<16xf32>
    %select_n3A_193 = arith.select %gt3A_190, %broadcast_in_dim3A_188, %select_n3A_180 : vector<16xi1>, vector<16xi32>
    %select_n3A_194 = arith.select %gt3A_189, %select_n3A_182, %select_n3A_193 : vector<16xi1>, vector<16xi32>
    %select_n3A_195 = arith.select %gt3A_189, %gather3A_186, %select_n3A_181 : vector<16xi1>, vector<16xf32>
    %select_n3A_196 = arith.select %gt3A_189, %broadcast_in_dim3A_188, %select_n3A_182 : vector<16xi1>, vector<16xi32>
    %add3A_197 = arith.constant 5 : i32
    %add3A_198 = vector.broadcast %add3A_197 : i32 to vector<16xi32>
    %add3A_199 = arith.addi %mul3A_136, %add3A_198 : vector<16xi32>
    %gather3A_200 = tpu.vector_load_idx %arg4[%add3A_199] : memref<512xf32, #tpu.memory_space<vmem>>[vector<16xi32>], vector<16xf32>,
    %broadcast_in_dim3A_201 = arith.constant 5 : i32
    %broadcast_in_dim3A_202 = vector.broadcast %broadcast_in_dim3A_201 : i32 to vector<16xi32>
    %gt3A_203 = arith.cmpf ogt, %gather3A_200, %select_n3A_195 : vector<16xf32>
    %gt3A_204 = arith.cmpf ogt, %gather3A_200, %select_n3A_192 : vector<16xf32>
    %select_n3A_205 = arith.select %gt3A_204, %gather3A_200, %select_n3A_192 : vector<16xi1>, vector<16xf32>
    %select_n3A_206 = arith.select %gt3A_203, %select_n3A_195, %select_n3A_205 : vector<16xi1>, vector<16xf32>
    %select_n3A_207 = arith.select %gt3A_204, %broadcast_in_dim3A_202, %select_n3A_194 : vector<16xi1>, vector<16xi32>
    %select_n3A_208 = arith.select %gt3A_203, %select_n3A_196, %select_n3A_207 : vector<16xi1>, vector<16xi32>
    %select_n3A_209 = arith.select %gt3A_203, %gather3A_200, %select_n3A_195 : vector<16xi1>, vector<16xf32>
    %select_n3A_210 = arith.select %gt3A_203, %broadcast_in_dim3A_202, %select_n3A_196 : vector<16xi1>, vector<16xi32>
    %add3A_211 = arith.constant 6 : i32
    %add3A_212 = vector.broadcast %add3A_211 : i32 to vector<16xi32>
    %add3A_213 = arith.addi %mul3A_136, %add3A_212 : vector<16xi32>
    %gather3A_214 = tpu.vector_load_idx %arg4[%add3A_213] : memref<512xf32, #tpu.memory_space<vmem>>[vector<16xi32>], vector<16xf32>,
    %broadcast_in_dim3A_215 = arith.constant 6 : i32
    %broadcast_in_dim3A_216 = vector.broadcast %broadcast_in_dim3A_215 : i32 to vector<16xi32>
    %gt3A_217 = arith.cmpf ogt, %gather3A_214, %select_n3A_209 : vector<16xf32>
    %gt3A_218 = arith.cmpf ogt, %gather3A_214, %select_n3A_206 : vector<16xf32>
    %select_n3A_219 = arith.select %gt3A_218, %gather3A_214, %select_n3A_206 : vector<16xi1>, vector<16xf32>
    %select_n3A_220 = arith.select %gt3A_217, %select_n3A_209, %select_n3A_219 : vector<16xi1>, vector<16xf32>
    %select_n3A_221 = arith.select %gt3A_218, %broadcast_in_dim3A_216, %select_n3A_208 : vector<16xi1>, vector<16xi32>
    %select_n3A_222 = arith.select %gt3A_217, %select_n3A_210, %select_n3A_221 : vector<16xi1>, vector<16xi32>
    %select_n3A_223 = arith.select %gt3A_217, %gather3A_214, %select_n3A_209 : vector<16xi1>, vector<16xf32>
    %select_n3A_224 = arith.select %gt3A_217, %broadcast_in_dim3A_216, %select_n3A_210 : vector<16xi1>, vector<16xi32>
    %add3A_225 = arith.constant 7 : i32
    %add3A_226 = vector.broadcast %add3A_225 : i32 to vector<16xi32>
    %add3A_227 = arith.addi %mul3A_136, %add3A_226 : vector<16xi32>
    %gather3A_228 = tpu.vector_load_idx %arg4[%add3A_227] : memref<512xf32, #tpu.memory_space<vmem>>[vector<16xi32>], vector<16xf32>,
    %broadcast_in_dim3A_229 = arith.constant 7 : i32
    %broadcast_in_dim3A_230 = vector.broadcast %broadcast_in_dim3A_229 : i32 to vector<16xi32>
    %gt3A_231 = arith.cmpf ogt, %gather3A_228, %select_n3A_223 : vector<16xf32>
    %gt3A_232 = arith.cmpf ogt, %gather3A_228, %select_n3A_220 : vector<16xf32>
    %select_n3A_233 = arith.select %gt3A_232, %gather3A_228, %select_n3A_220 : vector<16xi1>, vector<16xf32>
    %select_n3A_234 = arith.select %gt3A_231, %select_n3A_223, %select_n3A_233 : vector<16xi1>, vector<16xf32>
    %select_n3A_235 = arith.select %gt3A_232, %broadcast_in_dim3A_230, %select_n3A_222 : vector<16xi1>, vector<16xi32>
    %select_n3A_236 = arith.select %gt3A_231, %select_n3A_224, %select_n3A_235 : vector<16xi1>, vector<16xi32>
    %select_n3A_237 = arith.select %gt3A_231, %gather3A_228, %select_n3A_223 : vector<16xi1>, vector<16xf32>
    %select_n3A_238 = arith.select %gt3A_231, %broadcast_in_dim3A_230, %select_n3A_224 : vector<16xi1>, vector<16xi32>
    %sub3A = arith.subf %select_n3A_234, %select_n3A_237 : vector<16xf32>
    %exp3A = math.exp %sub3A : vector<16xf32>
    %add3A_239 = arith.constant 1.000000e+00 : f32
    %add3A_240 = vector.broadcast %add3A_239 : f32 to vector<16xf32>
    %add3A_241 = arith.addf %add3A_240, %exp3A : vector<16xf32>
    %div3A = arith.constant 1.000000e+00 : f32
    %div3A_242 = vector.broadcast %div3A : f32 to vector<16xf32>
    %div3A_243 = arith.divf %div3A_242, %add3A_241 : vector<16xf32>
    %mul3A_244 = arith.mulf %exp3A, %div3A_243 : vector<16xf32>
    %add3A_245 = arith.addi %mul3A_136, %select_n3A_238 : vector<16xi32>
    tpu.vector_store_idx %arg5[%add3A_245], %div3A_243 : memref<512xf32, #tpu.memory_space<vmem>>[vector<16xi32>], vector<16xf32>,
    %add3A_246 = arith.addi %mul3A_136, %select_n3A_236 : vector<16xi32>
    tpu.vector_store_idx %arg5[%add3A_246], %mul3A_244 : memref<512xf32, #tpu.memory_space<vmem>>[vector<16xi32>], vector<16xf32>,
    %add3A_247 = arith.constant 16 : i32
    %add3A_248 = vector.broadcast %add3A_247 : i32 to vector<16xi32>
    %add3A_249 = arith.addi %add3A_248, %iota3A : vector<16xi32>
    %mul3A_250 = arith.constant 8 : i32
    %mul3A_251 = vector.broadcast %mul3A_250 : i32 to vector<16xi32>
    %mul3A_252 = arith.muli %add3A_249, %mul3A_251 : vector<16xi32>
    %gather3A_253 = tpu.vector_load_idx %arg4[%mul3A_252] : memref<512xf32, #tpu.memory_space<vmem>>[vector<16xi32>], vector<16xf32>,
    %broadcast_in_dim3A_254 = arith.constant 0 : i32
    %broadcast_in_dim3A_255 = vector.broadcast %broadcast_in_dim3A_254 : i32 to vector<16xi32>
    %broadcast_in_dim3A_256 = arith.constant 0xFF800000 : f32
    %broadcast_in_dim3A_257 = vector.broadcast %broadcast_in_dim3A_256 : f32 to vector<16xf32>
    %broadcast_in_dim3A_258 = arith.constant 0 : i32
    %broadcast_in_dim3A_259 = vector.broadcast %broadcast_in_dim3A_258 : i32 to vector<16xi32>
    %add3A_260 = arith.constant 1 : i32
    %add3A_261 = vector.broadcast %add3A_260 : i32 to vector<16xi32>
    %add3A_262 = arith.addi %mul3A_252, %add3A_261 : vector<16xi32>
    %gather3A_263 = tpu.vector_load_idx %arg4[%add3A_262] : memref<512xf32, #tpu.memory_space<vmem>>[vector<16xi32>], vector<16xf32>,
    %broadcast_in_dim3A_264 = arith.constant 1 : i32
    %broadcast_in_dim3A_265 = vector.broadcast %broadcast_in_dim3A_264 : i32 to vector<16xi32>
    %gt3A_266 = arith.cmpf ogt, %gather3A_263, %gather3A_253 : vector<16xf32>
    %gt3A_267 = arith.cmpf ogt, %gather3A_263, %broadcast_in_dim3A_257 : vector<16xf32>
    %select_n3A_268 = arith.select %gt3A_267, %gather3A_263, %broadcast_in_dim3A_257 : vector<16xi1>, vector<16xf32>
    %select_n3A_269 = arith.select %gt3A_266, %gather3A_253, %select_n3A_268 : vector<16xi1>, vector<16xf32>
    %select_n3A_270 = arith.select %gt3A_267, %broadcast_in_dim3A_265, %broadcast_in_dim3A_259 : vector<16xi1>, vector<16xi32>
    %select_n3A_271 = arith.select %gt3A_266, %broadcast_in_dim3A_255, %select_n3A_270 : vector<16xi1>, vector<16xi32>
    %select_n3A_272 = arith.select %gt3A_266, %gather3A_263, %gather3A_253 : vector<16xi1>, vector<16xf32>
    %select_n3A_273 = arith.select %gt3A_266, %broadcast_in_dim3A_265, %broadcast_in_dim3A_255 : vector<16xi1>, vector<16xi32>
    %add3A_274 = arith.constant 2 : i32
    %add3A_275 = vector.broadcast %add3A_274 : i32 to vector<16xi32>
    %add3A_276 = arith.addi %mul3A_252, %add3A_275 : vector<16xi32>
    %gather3A_277 = tpu.vector_load_idx %arg4[%add3A_276] : memref<512xf32, #tpu.memory_space<vmem>>[vector<16xi32>], vector<16xf32>,
    %broadcast_in_dim3A_278 = arith.constant 2 : i32
    %broadcast_in_dim3A_279 = vector.broadcast %broadcast_in_dim3A_278 : i32 to vector<16xi32>
    %gt3A_280 = arith.cmpf ogt, %gather3A_277, %select_n3A_272 : vector<16xf32>
    %gt3A_281 = arith.cmpf ogt, %gather3A_277, %select_n3A_269 : vector<16xf32>
    %select_n3A_282 = arith.select %gt3A_281, %gather3A_277, %select_n3A_269 : vector<16xi1>, vector<16xf32>
    %select_n3A_283 = arith.select %gt3A_280, %select_n3A_272, %select_n3A_282 : vector<16xi1>, vector<16xf32>
    %select_n3A_284 = arith.select %gt3A_281, %broadcast_in_dim3A_279, %select_n3A_271 : vector<16xi1>, vector<16xi32>
    %select_n3A_285 = arith.select %gt3A_280, %select_n3A_273, %select_n3A_284 : vector<16xi1>, vector<16xi32>
    %select_n3A_286 = arith.select %gt3A_280, %gather3A_277, %select_n3A_272 : vector<16xi1>, vector<16xf32>
    %select_n3A_287 = arith.select %gt3A_280, %broadcast_in_dim3A_279, %select_n3A_273 : vector<16xi1>, vector<16xi32>
    %add3A_288 = arith.constant 3 : i32
    %add3A_289 = vector.broadcast %add3A_288 : i32 to vector<16xi32>
    %add3A_290 = arith.addi %mul3A_252, %add3A_289 : vector<16xi32>
    %gather3A_291 = tpu.vector_load_idx %arg4[%add3A_290] : memref<512xf32, #tpu.memory_space<vmem>>[vector<16xi32>], vector<16xf32>,
    %broadcast_in_dim3A_292 = arith.constant 3 : i32
    %broadcast_in_dim3A_293 = vector.broadcast %broadcast_in_dim3A_292 : i32 to vector<16xi32>
    %gt3A_294 = arith.cmpf ogt, %gather3A_291, %select_n3A_286 : vector<16xf32>
    %gt3A_295 = arith.cmpf ogt, %gather3A_291, %select_n3A_283 : vector<16xf32>
    %select_n3A_296 = arith.select %gt3A_295, %gather3A_291, %select_n3A_283 : vector<16xi1>, vector<16xf32>
    %select_n3A_297 = arith.select %gt3A_294, %select_n3A_286, %select_n3A_296 : vector<16xi1>, vector<16xf32>
    %select_n3A_298 = arith.select %gt3A_295, %broadcast_in_dim3A_293, %select_n3A_285 : vector<16xi1>, vector<16xi32>
    %select_n3A_299 = arith.select %gt3A_294, %select_n3A_287, %select_n3A_298 : vector<16xi1>, vector<16xi32>
    %select_n3A_300 = arith.select %gt3A_294, %gather3A_291, %select_n3A_286 : vector<16xi1>, vector<16xf32>
    %select_n3A_301 = arith.select %gt3A_294, %broadcast_in_dim3A_293, %select_n3A_287 : vector<16xi1>, vector<16xi32>
    %add3A_302 = arith.constant 4 : i32
    %add3A_303 = vector.broadcast %add3A_302 : i32 to vector<16xi32>
    %add3A_304 = arith.addi %mul3A_252, %add3A_303 : vector<16xi32>
    %gather3A_305 = tpu.vector_load_idx %arg4[%add3A_304] : memref<512xf32, #tpu.memory_space<vmem>>[vector<16xi32>], vector<16xf32>,
    %broadcast_in_dim3A_306 = arith.constant 4 : i32
    %broadcast_in_dim3A_307 = vector.broadcast %broadcast_in_dim3A_306 : i32 to vector<16xi32>
    %gt3A_308 = arith.cmpf ogt, %gather3A_305, %select_n3A_300 : vector<16xf32>
    %gt3A_309 = arith.cmpf ogt, %gather3A_305, %select_n3A_297 : vector<16xf32>
    %select_n3A_310 = arith.select %gt3A_309, %gather3A_305, %select_n3A_297 : vector<16xi1>, vector<16xf32>
    %select_n3A_311 = arith.select %gt3A_308, %select_n3A_300, %select_n3A_310 : vector<16xi1>, vector<16xf32>
    %select_n3A_312 = arith.select %gt3A_309, %broadcast_in_dim3A_307, %select_n3A_299 : vector<16xi1>, vector<16xi32>
    %select_n3A_313 = arith.select %gt3A_308, %select_n3A_301, %select_n3A_312 : vector<16xi1>, vector<16xi32>
    %select_n3A_314 = arith.select %gt3A_308, %gather3A_305, %select_n3A_300 : vector<16xi1>, vector<16xf32>
    %select_n3A_315 = arith.select %gt3A_308, %broadcast_in_dim3A_307, %select_n3A_301 : vector<16xi1>, vector<16xi32>
    %add3A_316 = arith.constant 5 : i32
    %add3A_317 = vector.broadcast %add3A_316 : i32 to vector<16xi32>
    %add3A_318 = arith.addi %mul3A_252, %add3A_317 : vector<16xi32>
    %gather3A_319 = tpu.vector_load_idx %arg4[%add3A_318] : memref<512xf32, #tpu.memory_space<vmem>>[vector<16xi32>], vector<16xf32>,
    %broadcast_in_dim3A_320 = arith.constant 5 : i32
    %broadcast_in_dim3A_321 = vector.broadcast %broadcast_in_dim3A_320 : i32 to vector<16xi32>
    %gt3A_322 = arith.cmpf ogt, %gather3A_319, %select_n3A_314 : vector<16xf32>
    %gt3A_323 = arith.cmpf ogt, %gather3A_319, %select_n3A_311 : vector<16xf32>
    %select_n3A_324 = arith.select %gt3A_323, %gather3A_319, %select_n3A_311 : vector<16xi1>, vector<16xf32>
    %select_n3A_325 = arith.select %gt3A_322, %select_n3A_314, %select_n3A_324 : vector<16xi1>, vector<16xf32>
    %select_n3A_326 = arith.select %gt3A_323, %broadcast_in_dim3A_321, %select_n3A_313 : vector<16xi1>, vector<16xi32>
    %select_n3A_327 = arith.select %gt3A_322, %select_n3A_315, %select_n3A_326 : vector<16xi1>, vector<16xi32>
    %select_n3A_328 = arith.select %gt3A_322, %gather3A_319, %select_n3A_314 : vector<16xi1>, vector<16xf32>
    %select_n3A_329 = arith.select %gt3A_322, %broadcast_in_dim3A_321, %select_n3A_315 : vector<16xi1>, vector<16xi32>
    %add3A_330 = arith.constant 6 : i32
    %add3A_331 = vector.broadcast %add3A_330 : i32 to vector<16xi32>
    %add3A_332 = arith.addi %mul3A_252, %add3A_331 : vector<16xi32>
    %gather3A_333 = tpu.vector_load_idx %arg4[%add3A_332] : memref<512xf32, #tpu.memory_space<vmem>>[vector<16xi32>], vector<16xf32>,
    %broadcast_in_dim3A_334 = arith.constant 6 : i32
    %broadcast_in_dim3A_335 = vector.broadcast %broadcast_in_dim3A_334 : i32 to vector<16xi32>
    %gt3A_336 = arith.cmpf ogt, %gather3A_333, %select_n3A_328 : vector<16xf32>
    %gt3A_337 = arith.cmpf ogt, %gather3A_333, %select_n3A_325 : vector<16xf32>
    %select_n3A_338 = arith.select %gt3A_337, %gather3A_333, %select_n3A_325 : vector<16xi1>, vector<16xf32>
    %select_n3A_339 = arith.select %gt3A_336, %select_n3A_328, %select_n3A_338 : vector<16xi1>, vector<16xf32>
    %select_n3A_340 = arith.select %gt3A_337, %broadcast_in_dim3A_335, %select_n3A_327 : vector<16xi1>, vector<16xi32>
    %select_n3A_341 = arith.select %gt3A_336, %select_n3A_329, %select_n3A_340 : vector<16xi1>, vector<16xi32>
    %select_n3A_342 = arith.select %gt3A_336, %gather3A_333, %select_n3A_328 : vector<16xi1>, vector<16xf32>
    %select_n3A_343 = arith.select %gt3A_336, %broadcast_in_dim3A_335, %select_n3A_329 : vector<16xi1>, vector<16xi32>
    %add3A_344 = arith.constant 7 : i32
    %add3A_345 = vector.broadcast %add3A_344 : i32 to vector<16xi32>
    %add3A_346 = arith.addi %mul3A_252, %add3A_345 : vector<16xi32>
    %gather3A_347 = tpu.vector_load_idx %arg4[%add3A_346] : memref<512xf32, #tpu.memory_space<vmem>>[vector<16xi32>], vector<16xf32>,
    %broadcast_in_dim3A_348 = arith.constant 7 : i32
    %broadcast_in_dim3A_349 = vector.broadcast %broadcast_in_dim3A_348 : i32 to vector<16xi32>
    %gt3A_350 = arith.cmpf ogt, %gather3A_347, %select_n3A_342 : vector<16xf32>
    %gt3A_351 = arith.cmpf ogt, %gather3A_347, %select_n3A_339 : vector<16xf32>
    %select_n3A_352 = arith.select %gt3A_351, %gather3A_347, %select_n3A_339 : vector<16xi1>, vector<16xf32>
    %select_n3A_353 = arith.select %gt3A_350, %select_n3A_342, %select_n3A_352 : vector<16xi1>, vector<16xf32>
    %select_n3A_354 = arith.select %gt3A_351, %broadcast_in_dim3A_349, %select_n3A_341 : vector<16xi1>, vector<16xi32>
    %select_n3A_355 = arith.select %gt3A_350, %select_n3A_343, %select_n3A_354 : vector<16xi1>, vector<16xi32>
    %select_n3A_356 = arith.select %gt3A_350, %gather3A_347, %select_n3A_342 : vector<16xi1>, vector<16xf32>
    %select_n3A_357 = arith.select %gt3A_350, %broadcast_in_dim3A_349, %select_n3A_343 : vector<16xi1>, vector<16xi32>
    %sub3A_358 = arith.subf %select_n3A_353, %select_n3A_356 : vector<16xf32>
    %exp3A_359 = math.exp %sub3A_358 : vector<16xf32>
    %add3A_360 = arith.constant 1.000000e+00 : f32
    %add3A_361 = vector.broadcast %add3A_360 : f32 to vector<16xf32>
    %add3A_362 = arith.addf %add3A_361, %exp3A_359 : vector<16xf32>
    %div3A_363 = arith.constant 1.000000e+00 : f32
    %div3A_364 = vector.broadcast %div3A_363 : f32 to vector<16xf32>
    %div3A_365 = arith.divf %div3A_364, %add3A_362 : vector<16xf32>
    %mul3A_366 = arith.mulf %exp3A_359, %div3A_365 : vector<16xf32>
    %add3A_367 = arith.addi %mul3A_252, %select_n3A_357 : vector<16xi32>
    tpu.vector_store_idx %arg5[%add3A_367], %div3A_365 : memref<512xf32, #tpu.memory_space<vmem>>[vector<16xi32>], vector<16xf32>,
    %add3A_368 = arith.addi %mul3A_252, %select_n3A_355 : vector<16xi32>
    tpu.vector_store_idx %arg5[%add3A_368], %mul3A_366 : memref<512xf32, #tpu.memory_space<vmem>>[vector<16xi32>], vector<16xf32>,
    %add3A_369 = arith.constant 32 : i32
    %add3A_370 = vector.broadcast %add3A_369 : i32 to vector<16xi32>
    %add3A_371 = arith.addi %add3A_370, %iota3A : vector<16xi32>
    %mul3A_372 = arith.constant 8 : i32
    %mul3A_373 = vector.broadcast %mul3A_372 : i32 to vector<16xi32>
    %mul3A_374 = arith.muli %add3A_371, %mul3A_373 : vector<16xi32>
    %gather3A_375 = tpu.vector_load_idx %arg4[%mul3A_374] : memref<512xf32, #tpu.memory_space<vmem>>[vector<16xi32>], vector<16xf32>,
    %broadcast_in_dim3A_376 = arith.constant 0 : i32
    %broadcast_in_dim3A_377 = vector.broadcast %broadcast_in_dim3A_376 : i32 to vector<16xi32>
    %broadcast_in_dim3A_378 = arith.constant 0xFF800000 : f32
    %broadcast_in_dim3A_379 = vector.broadcast %broadcast_in_dim3A_378 : f32 to vector<16xf32>
    %broadcast_in_dim3A_380 = arith.constant 0 : i32
    %broadcast_in_dim3A_381 = vector.broadcast %broadcast_in_dim3A_380 : i32 to vector<16xi32>
    %add3A_382 = arith.constant 1 : i32
    %add3A_383 = vector.broadcast %add3A_382 : i32 to vector<16xi32>
    %add3A_384 = arith.addi %mul3A_374, %add3A_383 : vector<16xi32>
    %gather3A_385 = tpu.vector_load_idx %arg4[%add3A_384] : memref<512xf32, #tpu.memory_space<vmem>>[vector<16xi32>], vector<16xf32>,
    %broadcast_in_dim3A_386 = arith.constant 1 : i32
    %broadcast_in_dim3A_387 = vector.broadcast %broadcast_in_dim3A_386 : i32 to vector<16xi32>
    %gt3A_388 = arith.cmpf ogt, %gather3A_385, %gather3A_375 : vector<16xf32>
    %gt3A_389 = arith.cmpf ogt, %gather3A_385, %broadcast_in_dim3A_379 : vector<16xf32>
    %select_n3A_390 = arith.select %gt3A_389, %gather3A_385, %broadcast_in_dim3A_379 : vector<16xi1>, vector<16xf32>
    %select_n3A_391 = arith.select %gt3A_388, %gather3A_375, %select_n3A_390 : vector<16xi1>, vector<16xf32>
    %select_n3A_392 = arith.select %gt3A_389, %broadcast_in_dim3A_387, %broadcast_in_dim3A_381 : vector<16xi1>, vector<16xi32>
    %select_n3A_393 = arith.select %gt3A_388, %broadcast_in_dim3A_377, %select_n3A_392 : vector<16xi1>, vector<16xi32>
    %select_n3A_394 = arith.select %gt3A_388, %gather3A_385, %gather3A_375 : vector<16xi1>, vector<16xf32>
    %select_n3A_395 = arith.select %gt3A_388, %broadcast_in_dim3A_387, %broadcast_in_dim3A_377 : vector<16xi1>, vector<16xi32>
    %add3A_396 = arith.constant 2 : i32
    %add3A_397 = vector.broadcast %add3A_396 : i32 to vector<16xi32>
    %add3A_398 = arith.addi %mul3A_374, %add3A_397 : vector<16xi32>
    %gather3A_399 = tpu.vector_load_idx %arg4[%add3A_398] : memref<512xf32, #tpu.memory_space<vmem>>[vector<16xi32>], vector<16xf32>,
    %broadcast_in_dim3A_400 = arith.constant 2 : i32
    %broadcast_in_dim3A_401 = vector.broadcast %broadcast_in_dim3A_400 : i32 to vector<16xi32>
    %gt3A_402 = arith.cmpf ogt, %gather3A_399, %select_n3A_394 : vector<16xf32>
    %gt3A_403 = arith.cmpf ogt, %gather3A_399, %select_n3A_391 : vector<16xf32>
    %select_n3A_404 = arith.select %gt3A_403, %gather3A_399, %select_n3A_391 : vector<16xi1>, vector<16xf32>
    %select_n3A_405 = arith.select %gt3A_402, %select_n3A_394, %select_n3A_404 : vector<16xi1>, vector<16xf32>
    %select_n3A_406 = arith.select %gt3A_403, %broadcast_in_dim3A_401, %select_n3A_393 : vector<16xi1>, vector<16xi32>
    %select_n3A_407 = arith.select %gt3A_402, %select_n3A_395, %select_n3A_406 : vector<16xi1>, vector<16xi32>
    %select_n3A_408 = arith.select %gt3A_402, %gather3A_399, %select_n3A_394 : vector<16xi1>, vector<16xf32>
    %select_n3A_409 = arith.select %gt3A_402, %broadcast_in_dim3A_401, %select_n3A_395 : vector<16xi1>, vector<16xi32>
    %add3A_410 = arith.constant 3 : i32
    %add3A_411 = vector.broadcast %add3A_410 : i32 to vector<16xi32>
    %add3A_412 = arith.addi %mul3A_374, %add3A_411 : vector<16xi32>
    %gather3A_413 = tpu.vector_load_idx %arg4[%add3A_412] : memref<512xf32, #tpu.memory_space<vmem>>[vector<16xi32>], vector<16xf32>,
    %broadcast_in_dim3A_414 = arith.constant 3 : i32
    %broadcast_in_dim3A_415 = vector.broadcast %broadcast_in_dim3A_414 : i32 to vector<16xi32>
    %gt3A_416 = arith.cmpf ogt, %gather3A_413, %select_n3A_408 : vector<16xf32>
    %gt3A_417 = arith.cmpf ogt, %gather3A_413, %select_n3A_405 : vector<16xf32>
    %select_n3A_418 = arith.select %gt3A_417, %gather3A_413, %select_n3A_405 : vector<16xi1>, vector<16xf32>
    %select_n3A_419 = arith.select %gt3A_416, %select_n3A_408, %select_n3A_418 : vector<16xi1>, vector<16xf32>
    %select_n3A_420 = arith.select %gt3A_417, %broadcast_in_dim3A_415, %select_n3A_407 : vector<16xi1>, vector<16xi32>
    %select_n3A_421 = arith.select %gt3A_416, %select_n3A_409, %select_n3A_420 : vector<16xi1>, vector<16xi32>
    %select_n3A_422 = arith.select %gt3A_416, %gather3A_413, %select_n3A_408 : vector<16xi1>, vector<16xf32>
    %select_n3A_423 = arith.select %gt3A_416, %broadcast_in_dim3A_415, %select_n3A_409 : vector<16xi1>, vector<16xi32>
    %add3A_424 = arith.constant 4 : i32
    %add3A_425 = vector.broadcast %add3A_424 : i32 to vector<16xi32>
    %add3A_426 = arith.addi %mul3A_374, %add3A_425 : vector<16xi32>
    %gather3A_427 = tpu.vector_load_idx %arg4[%add3A_426] : memref<512xf32, #tpu.memory_space<vmem>>[vector<16xi32>], vector<16xf32>,
    %broadcast_in_dim3A_428 = arith.constant 4 : i32
    %broadcast_in_dim3A_429 = vector.broadcast %broadcast_in_dim3A_428 : i32 to vector<16xi32>
    %gt3A_430 = arith.cmpf ogt, %gather3A_427, %select_n3A_422 : vector<16xf32>
    %gt3A_431 = arith.cmpf ogt, %gather3A_427, %select_n3A_419 : vector<16xf32>
    %select_n3A_432 = arith.select %gt3A_431, %gather3A_427, %select_n3A_419 : vector<16xi1>, vector<16xf32>
    %select_n3A_433 = arith.select %gt3A_430, %select_n3A_422, %select_n3A_432 : vector<16xi1>, vector<16xf32>
    %select_n3A_434 = arith.select %gt3A_431, %broadcast_in_dim3A_429, %select_n3A_421 : vector<16xi1>, vector<16xi32>
    %select_n3A_435 = arith.select %gt3A_430, %select_n3A_423, %select_n3A_434 : vector<16xi1>, vector<16xi32>
    %select_n3A_436 = arith.select %gt3A_430, %gather3A_427, %select_n3A_422 : vector<16xi1>, vector<16xf32>
    %select_n3A_437 = arith.select %gt3A_430, %broadcast_in_dim3A_429, %select_n3A_423 : vector<16xi1>, vector<16xi32>
    %add3A_438 = arith.constant 5 : i32
    %add3A_439 = vector.broadcast %add3A_438 : i32 to vector<16xi32>
    %add3A_440 = arith.addi %mul3A_374, %add3A_439 : vector<16xi32>
    %gather3A_441 = tpu.vector_load_idx %arg4[%add3A_440] : memref<512xf32, #tpu.memory_space<vmem>>[vector<16xi32>], vector<16xf32>,
    %broadcast_in_dim3A_442 = arith.constant 5 : i32
    %broadcast_in_dim3A_443 = vector.broadcast %broadcast_in_dim3A_442 : i32 to vector<16xi32>
    %gt3A_444 = arith.cmpf ogt, %gather3A_441, %select_n3A_436 : vector<16xf32>
    %gt3A_445 = arith.cmpf ogt, %gather3A_441, %select_n3A_433 : vector<16xf32>
    %select_n3A_446 = arith.select %gt3A_445, %gather3A_441, %select_n3A_433 : vector<16xi1>, vector<16xf32>
    %select_n3A_447 = arith.select %gt3A_444, %select_n3A_436, %select_n3A_446 : vector<16xi1>, vector<16xf32>
    %select_n3A_448 = arith.select %gt3A_445, %broadcast_in_dim3A_443, %select_n3A_435 : vector<16xi1>, vector<16xi32>
    %select_n3A_449 = arith.select %gt3A_444, %select_n3A_437, %select_n3A_448 : vector<16xi1>, vector<16xi32>
    %select_n3A_450 = arith.select %gt3A_444, %gather3A_441, %select_n3A_436 : vector<16xi1>, vector<16xf32>
    %select_n3A_451 = arith.select %gt3A_444, %broadcast_in_dim3A_443, %select_n3A_437 : vector<16xi1>, vector<16xi32>
    %add3A_452 = arith.constant 6 : i32
    %add3A_453 = vector.broadcast %add3A_452 : i32 to vector<16xi32>
    %add3A_454 = arith.addi %mul3A_374, %add3A_453 : vector<16xi32>
    %gather3A_455 = tpu.vector_load_idx %arg4[%add3A_454] : memref<512xf32, #tpu.memory_space<vmem>>[vector<16xi32>], vector<16xf32>,
    %broadcast_in_dim3A_456 = arith.constant 6 : i32
    %broadcast_in_dim3A_457 = vector.broadcast %broadcast_in_dim3A_456 : i32 to vector<16xi32>
    %gt3A_458 = arith.cmpf ogt, %gather3A_455, %select_n3A_450 : vector<16xf32>
    %gt3A_459 = arith.cmpf ogt, %gather3A_455, %select_n3A_447 : vector<16xf32>
    %select_n3A_460 = arith.select %gt3A_459, %gather3A_455, %select_n3A_447 : vector<16xi1>, vector<16xf32>
    %select_n3A_461 = arith.select %gt3A_458, %select_n3A_450, %select_n3A_460 : vector<16xi1>, vector<16xf32>
    %select_n3A_462 = arith.select %gt3A_459, %broadcast_in_dim3A_457, %select_n3A_449 : vector<16xi1>, vector<16xi32>
    %select_n3A_463 = arith.select %gt3A_458, %select_n3A_451, %select_n3A_462 : vector<16xi1>, vector<16xi32>
    %select_n3A_464 = arith.select %gt3A_458, %gather3A_455, %select_n3A_450 : vector<16xi1>, vector<16xf32>
    %select_n3A_465 = arith.select %gt3A_458, %broadcast_in_dim3A_457, %select_n3A_451 : vector<16xi1>, vector<16xi32>
    %add3A_466 = arith.constant 7 : i32
    %add3A_467 = vector.broadcast %add3A_466 : i32 to vector<16xi32>
    %add3A_468 = arith.addi %mul3A_374, %add3A_467 : vector<16xi32>
    %gather3A_469 = tpu.vector_load_idx %arg4[%add3A_468] : memref<512xf32, #tpu.memory_space<vmem>>[vector<16xi32>], vector<16xf32>,
    %broadcast_in_dim3A_470 = arith.constant 7 : i32
    %broadcast_in_dim3A_471 = vector.broadcast %broadcast_in_dim3A_470 : i32 to vector<16xi32>
    %gt3A_472 = arith.cmpf ogt, %gather3A_469, %select_n3A_464 : vector<16xf32>
    %gt3A_473 = arith.cmpf ogt, %gather3A_469, %select_n3A_461 : vector<16xf32>
    %select_n3A_474 = arith.select %gt3A_473, %gather3A_469, %select_n3A_461 : vector<16xi1>, vector<16xf32>
    %select_n3A_475 = arith.select %gt3A_472, %select_n3A_464, %select_n3A_474 : vector<16xi1>, vector<16xf32>
    %select_n3A_476 = arith.select %gt3A_473, %broadcast_in_dim3A_471, %select_n3A_463 : vector<16xi1>, vector<16xi32>
    %select_n3A_477 = arith.select %gt3A_472, %select_n3A_465, %select_n3A_476 : vector<16xi1>, vector<16xi32>
    %select_n3A_478 = arith.select %gt3A_472, %gather3A_469, %select_n3A_464 : vector<16xi1>, vector<16xf32>
    %select_n3A_479 = arith.select %gt3A_472, %broadcast_in_dim3A_471, %select_n3A_465 : vector<16xi1>, vector<16xi32>
    %sub3A_480 = arith.subf %select_n3A_475, %select_n3A_478 : vector<16xf32>
    %exp3A_481 = math.exp %sub3A_480 : vector<16xf32>
    %add3A_482 = arith.constant 1.000000e+00 : f32
    %add3A_483 = vector.broadcast %add3A_482 : f32 to vector<16xf32>
    %add3A_484 = arith.addf %add3A_483, %exp3A_481 : vector<16xf32>
    %div3A_485 = arith.constant 1.000000e+00 : f32
    %div3A_486 = vector.broadcast %div3A_485 : f32 to vector<16xf32>
    %div3A_487 = arith.divf %div3A_486, %add3A_484 : vector<16xf32>
    %mul3A_488 = arith.mulf %exp3A_481, %div3A_487 : vector<16xf32>
    %add3A_489 = arith.addi %mul3A_374, %select_n3A_479 : vector<16xi32>
    tpu.vector_store_idx %arg5[%add3A_489], %div3A_487 : memref<512xf32, #tpu.memory_space<vmem>>[vector<16xi32>], vector<16xf32>,
    %add3A_490 = arith.addi %mul3A_374, %select_n3A_477 : vector<16xi32>
    tpu.vector_store_idx %arg5[%add3A_490], %mul3A_488 : memref<512xf32, #tpu.memory_space<vmem>>[vector<16xi32>], vector<16xf32>,
    %add3A_491 = arith.constant 48 : i32
    %add3A_492 = vector.broadcast %add3A_491 : i32 to vector<16xi32>
    %add3A_493 = arith.addi %add3A_492, %iota3A : vector<16xi32>
    %mul3A_494 = arith.constant 8 : i32
    %mul3A_495 = vector.broadcast %mul3A_494 : i32 to vector<16xi32>
    %mul3A_496 = arith.muli %add3A_493, %mul3A_495 : vector<16xi32>
    %gather3A_497 = tpu.vector_load_idx %arg4[%mul3A_496] : memref<512xf32, #tpu.memory_space<vmem>>[vector<16xi32>], vector<16xf32>,
    %broadcast_in_dim3A_498 = arith.constant 0 : i32
    %broadcast_in_dim3A_499 = vector.broadcast %broadcast_in_dim3A_498 : i32 to vector<16xi32>
    %broadcast_in_dim3A_500 = arith.constant 0xFF800000 : f32
    %broadcast_in_dim3A_501 = vector.broadcast %broadcast_in_dim3A_500 : f32 to vector<16xf32>
    %broadcast_in_dim3A_502 = arith.constant 0 : i32
    %broadcast_in_dim3A_503 = vector.broadcast %broadcast_in_dim3A_502 : i32 to vector<16xi32>
    %add3A_504 = arith.constant 1 : i32
    %add3A_505 = vector.broadcast %add3A_504 : i32 to vector<16xi32>
    %add3A_506 = arith.addi %mul3A_496, %add3A_505 : vector<16xi32>
    %gather3A_507 = tpu.vector_load_idx %arg4[%add3A_506] : memref<512xf32, #tpu.memory_space<vmem>>[vector<16xi32>], vector<16xf32>,
    %broadcast_in_dim3A_508 = arith.constant 1 : i32
    %broadcast_in_dim3A_509 = vector.broadcast %broadcast_in_dim3A_508 : i32 to vector<16xi32>
    %gt3A_510 = arith.cmpf ogt, %gather3A_507, %gather3A_497 : vector<16xf32>
    %gt3A_511 = arith.cmpf ogt, %gather3A_507, %broadcast_in_dim3A_501 : vector<16xf32>
    %select_n3A_512 = arith.select %gt3A_511, %gather3A_507, %broadcast_in_dim3A_501 : vector<16xi1>, vector<16xf32>
    %select_n3A_513 = arith.select %gt3A_510, %gather3A_497, %select_n3A_512 : vector<16xi1>, vector<16xf32>
    %select_n3A_514 = arith.select %gt3A_511, %broadcast_in_dim3A_509, %broadcast_in_dim3A_503 : vector<16xi1>, vector<16xi32>
    %select_n3A_515 = arith.select %gt3A_510, %broadcast_in_dim3A_499, %select_n3A_514 : vector<16xi1>, vector<16xi32>
    %select_n3A_516 = arith.select %gt3A_510, %gather3A_507, %gather3A_497 : vector<16xi1>, vector<16xf32>
    %select_n3A_517 = arith.select %gt3A_510, %broadcast_in_dim3A_509, %broadcast_in_dim3A_499 : vector<16xi1>, vector<16xi32>
    %add3A_518 = arith.constant 2 : i32
    %add3A_519 = vector.broadcast %add3A_518 : i32 to vector<16xi32>
    %add3A_520 = arith.addi %mul3A_496, %add3A_519 : vector<16xi32>
    %gather3A_521 = tpu.vector_load_idx %arg4[%add3A_520] : memref<512xf32, #tpu.memory_space<vmem>>[vector<16xi32>], vector<16xf32>,
    %broadcast_in_dim3A_522 = arith.constant 2 : i32
    %broadcast_in_dim3A_523 = vector.broadcast %broadcast_in_dim3A_522 : i32 to vector<16xi32>
    %gt3A_524 = arith.cmpf ogt, %gather3A_521, %select_n3A_516 : vector<16xf32>
    %gt3A_525 = arith.cmpf ogt, %gather3A_521, %select_n3A_513 : vector<16xf32>
    %select_n3A_526 = arith.select %gt3A_525, %gather3A_521, %select_n3A_513 : vector<16xi1>, vector<16xf32>
    %select_n3A_527 = arith.select %gt3A_524, %select_n3A_516, %select_n3A_526 : vector<16xi1>, vector<16xf32>
    %select_n3A_528 = arith.select %gt3A_525, %broadcast_in_dim3A_523, %select_n3A_515 : vector<16xi1>, vector<16xi32>
    %select_n3A_529 = arith.select %gt3A_524, %select_n3A_517, %select_n3A_528 : vector<16xi1>, vector<16xi32>
    %select_n3A_530 = arith.select %gt3A_524, %gather3A_521, %select_n3A_516 : vector<16xi1>, vector<16xf32>
    %select_n3A_531 = arith.select %gt3A_524, %broadcast_in_dim3A_523, %select_n3A_517 : vector<16xi1>, vector<16xi32>
    %add3A_532 = arith.constant 3 : i32
    %add3A_533 = vector.broadcast %add3A_532 : i32 to vector<16xi32>
    %add3A_534 = arith.addi %mul3A_496, %add3A_533 : vector<16xi32>
    %gather3A_535 = tpu.vector_load_idx %arg4[%add3A_534] : memref<512xf32, #tpu.memory_space<vmem>>[vector<16xi32>], vector<16xf32>,
    %broadcast_in_dim3A_536 = arith.constant 3 : i32
    %broadcast_in_dim3A_537 = vector.broadcast %broadcast_in_dim3A_536 : i32 to vector<16xi32>
    %gt3A_538 = arith.cmpf ogt, %gather3A_535, %select_n3A_530 : vector<16xf32>
    %gt3A_539 = arith.cmpf ogt, %gather3A_535, %select_n3A_527 : vector<16xf32>
    %select_n3A_540 = arith.select %gt3A_539, %gather3A_535, %select_n3A_527 : vector<16xi1>, vector<16xf32>
    %select_n3A_541 = arith.select %gt3A_538, %select_n3A_530, %select_n3A_540 : vector<16xi1>, vector<16xf32>
    %select_n3A_542 = arith.select %gt3A_539, %broadcast_in_dim3A_537, %select_n3A_529 : vector<16xi1>, vector<16xi32>
    %select_n3A_543 = arith.select %gt3A_538, %select_n3A_531, %select_n3A_542 : vector<16xi1>, vector<16xi32>
    %select_n3A_544 = arith.select %gt3A_538, %gather3A_535, %select_n3A_530 : vector<16xi1>, vector<16xf32>
    %select_n3A_545 = arith.select %gt3A_538, %broadcast_in_dim3A_537, %select_n3A_531 : vector<16xi1>, vector<16xi32>
    %add3A_546 = arith.constant 4 : i32
    %add3A_547 = vector.broadcast %add3A_546 : i32 to vector<16xi32>
    %add3A_548 = arith.addi %mul3A_496, %add3A_547 : vector<16xi32>
    %gather3A_549 = tpu.vector_load_idx %arg4[%add3A_548] : memref<512xf32, #tpu.memory_space<vmem>>[vector<16xi32>], vector<16xf32>,
    %broadcast_in_dim3A_550 = arith.constant 4 : i32
    %broadcast_in_dim3A_551 = vector.broadcast %broadcast_in_dim3A_550 : i32 to vector<16xi32>
    %gt3A_552 = arith.cmpf ogt, %gather3A_549, %select_n3A_544 : vector<16xf32>
    %gt3A_553 = arith.cmpf ogt, %gather3A_549, %select_n3A_541 : vector<16xf32>
    %select_n3A_554 = arith.select %gt3A_553, %gather3A_549, %select_n3A_541 : vector<16xi1>, vector<16xf32>
    %select_n3A_555 = arith.select %gt3A_552, %select_n3A_544, %select_n3A_554 : vector<16xi1>, vector<16xf32>
    %select_n3A_556 = arith.select %gt3A_553, %broadcast_in_dim3A_551, %select_n3A_543 : vector<16xi1>, vector<16xi32>
    %select_n3A_557 = arith.select %gt3A_552, %select_n3A_545, %select_n3A_556 : vector<16xi1>, vector<16xi32>
    %select_n3A_558 = arith.select %gt3A_552, %gather3A_549, %select_n3A_544 : vector<16xi1>, vector<16xf32>
    %select_n3A_559 = arith.select %gt3A_552, %broadcast_in_dim3A_551, %select_n3A_545 : vector<16xi1>, vector<16xi32>
    %add3A_560 = arith.constant 5 : i32
    %add3A_561 = vector.broadcast %add3A_560 : i32 to vector<16xi32>
    %add3A_562 = arith.addi %mul3A_496, %add3A_561 : vector<16xi32>
    %gather3A_563 = tpu.vector_load_idx %arg4[%add3A_562] : memref<512xf32, #tpu.memory_space<vmem>>[vector<16xi32>], vector<16xf32>,
    %broadcast_in_dim3A_564 = arith.constant 5 : i32
    %broadcast_in_dim3A_565 = vector.broadcast %broadcast_in_dim3A_564 : i32 to vector<16xi32>
    %gt3A_566 = arith.cmpf ogt, %gather3A_563, %select_n3A_558 : vector<16xf32>
    %gt3A_567 = arith.cmpf ogt, %gather3A_563, %select_n3A_555 : vector<16xf32>
    %select_n3A_568 = arith.select %gt3A_567, %gather3A_563, %select_n3A_555 : vector<16xi1>, vector<16xf32>
    %select_n3A_569 = arith.select %gt3A_566, %select_n3A_558, %select_n3A_568 : vector<16xi1>, vector<16xf32>
    %select_n3A_570 = arith.select %gt3A_567, %broadcast_in_dim3A_565, %select_n3A_557 : vector<16xi1>, vector<16xi32>
    %select_n3A_571 = arith.select %gt3A_566, %select_n3A_559, %select_n3A_570 : vector<16xi1>, vector<16xi32>
    %select_n3A_572 = arith.select %gt3A_566, %gather3A_563, %select_n3A_558 : vector<16xi1>, vector<16xf32>
    %select_n3A_573 = arith.select %gt3A_566, %broadcast_in_dim3A_565, %select_n3A_559 : vector<16xi1>, vector<16xi32>
    %add3A_574 = arith.constant 6 : i32
    %add3A_575 = vector.broadcast %add3A_574 : i32 to vector<16xi32>
    %add3A_576 = arith.addi %mul3A_496, %add3A_575 : vector<16xi32>
    %gather3A_577 = tpu.vector_load_idx %arg4[%add3A_576] : memref<512xf32, #tpu.memory_space<vmem>>[vector<16xi32>], vector<16xf32>,
    %broadcast_in_dim3A_578 = arith.constant 6 : i32
    %broadcast_in_dim3A_579 = vector.broadcast %broadcast_in_dim3A_578 : i32 to vector<16xi32>
    %gt3A_580 = arith.cmpf ogt, %gather3A_577, %select_n3A_572 : vector<16xf32>
    %gt3A_581 = arith.cmpf ogt, %gather3A_577, %select_n3A_569 : vector<16xf32>
    %select_n3A_582 = arith.select %gt3A_581, %gather3A_577, %select_n3A_569 : vector<16xi1>, vector<16xf32>
    %select_n3A_583 = arith.select %gt3A_580, %select_n3A_572, %select_n3A_582 : vector<16xi1>, vector<16xf32>
    %select_n3A_584 = arith.select %gt3A_581, %broadcast_in_dim3A_579, %select_n3A_571 : vector<16xi1>, vector<16xi32>
    %select_n3A_585 = arith.select %gt3A_580, %select_n3A_573, %select_n3A_584 : vector<16xi1>, vector<16xi32>
    %select_n3A_586 = arith.select %gt3A_580, %gather3A_577, %select_n3A_572 : vector<16xi1>, vector<16xf32>
    %select_n3A_587 = arith.select %gt3A_580, %broadcast_in_dim3A_579, %select_n3A_573 : vector<16xi1>, vector<16xi32>
    %add3A_588 = arith.constant 7 : i32
    %add3A_589 = vector.broadcast %add3A_588 : i32 to vector<16xi32>
    %add3A_590 = arith.addi %mul3A_496, %add3A_589 : vector<16xi32>
    %gather3A_591 = tpu.vector_load_idx %arg4[%add3A_590] : memref<512xf32, #tpu.memory_space<vmem>>[vector<16xi32>], vector<16xf32>,
    %broadcast_in_dim3A_592 = arith.constant 7 : i32
    %broadcast_in_dim3A_593 = vector.broadcast %broadcast_in_dim3A_592 : i32 to vector<16xi32>
    %gt3A_594 = arith.cmpf ogt, %gather3A_591, %select_n3A_586 : vector<16xf32>
    %gt3A_595 = arith.cmpf ogt, %gather3A_591, %select_n3A_583 : vector<16xf32>
    %select_n3A_596 = arith.select %gt3A_595, %gather3A_591, %select_n3A_583 : vector<16xi1>, vector<16xf32>
    %select_n3A_597 = arith.select %gt3A_594, %select_n3A_586, %select_n3A_596 : vector<16xi1>, vector<16xf32>
    %select_n3A_598 = arith.select %gt3A_595, %broadcast_in_dim3A_593, %select_n3A_585 : vector<16xi1>, vector<16xi32>
    %select_n3A_599 = arith.select %gt3A_594, %select_n3A_587, %select_n3A_598 : vector<16xi1>, vector<16xi32>
    %select_n3A_600 = arith.select %gt3A_594, %gather3A_591, %select_n3A_586 : vector<16xi1>, vector<16xf32>
    %select_n3A_601 = arith.select %gt3A_594, %broadcast_in_dim3A_593, %select_n3A_587 : vector<16xi1>, vector<16xi32>
    %sub3A_602 = arith.subf %select_n3A_597, %select_n3A_600 : vector<16xf32>
    %exp3A_603 = math.exp %sub3A_602 : vector<16xf32>
    %add3A_604 = arith.constant 1.000000e+00 : f32
    %add3A_605 = vector.broadcast %add3A_604 : f32 to vector<16xf32>
    %add3A_606 = arith.addf %add3A_605, %exp3A_603 : vector<16xf32>
    %div3A_607 = arith.constant 1.000000e+00 : f32
    %div3A_608 = vector.broadcast %div3A_607 : f32 to vector<16xf32>
    %div3A_609 = arith.divf %div3A_608, %add3A_606 : vector<16xf32>
    %mul3A_610 = arith.mulf %exp3A_603, %div3A_609 : vector<16xf32>
    %add3A_611 = arith.addi %mul3A_496, %select_n3A_601 : vector<16xi32>
    tpu.vector_store_idx %arg5[%add3A_611], %div3A_609 : memref<512xf32, #tpu.memory_space<vmem>>[vector<16xi32>], vector<16xf32>,
    %add3A_612 = arith.addi %mul3A_496, %select_n3A_599 : vector<16xi32>
    tpu.vector_store_idx %arg5[%add3A_612], %mul3A_610 : memref<512xf32, #tpu.memory_space<vmem>>[vector<16xi32>], vector<16xf32>,
    "tpu.region"() ({
      %run_scoped3A = tpu.sem_alloc : memref<!tpu.dma_semaphore, #tpu.memory_space<semaphore_mem>>
      %dma_start3A = tpu.memref_slice %arg3[%mul3A_4] : memref<16384xf32, #tpu.memory_space<hbm>> -> memref<512xf32, #tpu.memory_space<hbm>>
      %dma_start3A_613 = tpu.memref_slice %arg3[%mul3A_4] : memref<16384xf32, #tpu.memory_space<hbm>> -> memref<512xf32, #tpu.memory_space<hbm>>
      tpu.enqueue_dma source(%arg5 : memref<512xf32, #tpu.memory_space<vmem>>) target(%dma_start3A_613 : memref<512xf32, #tpu.memory_space<hbm>>) target_semaphore(%run_scoped3A : memref<!tpu.dma_semaphore, #tpu.memory_space<semaphore_mem>>)
      %dma_wait3A = tpu.memref_slice %arg3[%mul3A_4] : memref<16384xf32, #tpu.memory_space<hbm>> -> memref<512xf32, #tpu.memory_space<hbm>>
      %dma_wait3A_614 = tpu.memref_slice %arg3[%mul3A_4] : memref<16384xf32, #tpu.memory_space<hbm>> -> memref<512xf32, #tpu.memory_space<hbm>>
      tpu.wait_dma2 semaphore(%run_scoped3A : memref<!tpu.dma_semaphore, #tpu.memory_space<semaphore_mem>>) src(%arg5 : memref<512xf32, #tpu.memory_space<vmem>>) dst(%dma_wait3A_614 : memref<512xf32, #tpu.memory_space<hbm>>)
      tpu.yield
    }) : () -> ()
    return
  }
}

module attributes {stable_mosaic.version = 14 : i64} {
  func.func @_gating_block(%arg0: i32, %arg1: memref<1024x768xf32, #tpu.memory_space<vmem>>, %arg2: memref<768x8xf32, #tpu.memory_space<vmem>>, %arg3: memref<1x8xf32, #tpu.memory_space<vmem>>, %arg4: memref<1024x8xf32, #tpu.memory_space<vmem>>) attributes {dimension_semantics = [#tpu.dimension_semantics<parallel>], iteration_bounds = array<i64: 2>, scalar_prefetch = 0 : i64, scratch_operands = 0 : i64, tpu.core_type = #tpu.core_type<tc>, window_params = [{transform_indices = @transform_0, window_bounds = array<i64: 1024, 768>}, {pipeline_mode = #tpu.pipeline_mode<synchronous>, transform_indices = @transform_1, window_bounds = array<i64: 768, 8>}, {pipeline_mode = #tpu.pipeline_mode<synchronous>, transform_indices = @transform_2, window_bounds = array<i64: 1, 8>}, {transform_indices = @transform_3, window_bounds = array<i64: 1024, 8>}]} {
    %get3A = arith.constant 0 : index
    %get3A_0 = arith.constant 0 : index
    %get3A_1 = vector.load %arg1[%get3A, %get3A_0] : memref<1024x768xf32, #tpu.memory_space<vmem>>, vector<1024x768xf32>
    %get3A_2 = arith.constant 0 : index
    %get3A_3 = arith.constant 0 : index
    %get3A_4 = vector.load %arg2[%get3A_2, %get3A_3] : memref<768x8xf32, #tpu.memory_space<vmem>>, vector<768x8xf32>
    %dot_general3A = arith.constant dense<0.000000e+00> : vector<1024x8xf32>
    %dot_general3A_5 = tpu.matmul %get3A_1, %get3A_4, %dot_general3A {dimension_numbers = #tpu.dot_dimension_numbers<[1], [0], [0], [1], [0, 0, 1, 1], [], []>, transpose_lhs_hint = false} : vector<1024x768xf32>, vector<768x8xf32>, vector<1024x8xf32> -> vector<1024x8xf32>
    %get3A_6 = arith.constant 0 : index
    %get3A_7 = arith.constant 0 : index
    %get3A_8 = vector.load %arg3[%get3A_6, %get3A_7] : memref<1x8xf32, #tpu.memory_space<vmem>>, vector<1x8xf32>
    %add3A = vector.broadcast %get3A_8 : vector<1x8xf32> to vector<1024x8xf32>
    %add3A_9 = arith.addf %dot_general3A_5, %add3A : vector<1024x8xf32>
    %swap3A = arith.constant 0 : index
    %swap3A_10 = arith.constant 0 : index
    %swap3A_11 = vector.load %arg4[%swap3A, %swap3A_10] : memref<1024x8xf32, #tpu.memory_space<vmem>>, vector<1024x8xf32>
    tpu.vector_store %arg4[%swap3A, %swap3A_10], %add3A_9 {strides = array<i32>} : memref<1024x8xf32, #tpu.memory_space<vmem>>, vector<1024x8xf32>,
    return
  }
  func.func @transform_0(%arg0: i32) -> (i32, i32) {
    %c0_i32 = arith.constant 0 : i32
    %c0_i32_0 = arith.constant 0 : i32
    return %arg0, %c0_i32 : i32, i32
  }
  func.func @transform_1(%arg0: i32) -> (i32, i32) {
    %c0_i32 = arith.constant 0 : i32
    %c0_i32_0 = arith.constant 0 : i32
    %c0_i32_1 = arith.constant 0 : i32
    return %c0_i32, %c0_i32_0 : i32, i32
  }
  func.func @transform_2(%arg0: i32) -> (i32, i32) {
    %c0_i32 = arith.constant 0 : i32
    %c0_i32_0 = arith.constant 0 : i32
    %c0_i32_1 = arith.constant 0 : i32
    return %c0_i32, %c0_i32_0 : i32, i32
  }
  func.func @transform_3(%arg0: i32) -> (i32, i32) {
    %c0_i32 = arith.constant 0 : i32
    %c0_i32_0 = arith.constant 0 : i32
    return %arg0, %c0_i32 : i32, i32
  }
}

module attributes {stable_mosaic.version = 14 : i64} {
  func.func @_moe_block(%arg0: i32, %arg1: memref<1024x768xf32, #tpu.memory_space<vmem>>, %arg2: memref<1024x8xf32, #tpu.memory_space<vmem>>, %arg3: memref<768x1024xbf16, #tpu.memory_space<vmem>>, %arg4: memref<1x1024xf32, #tpu.memory_space<vmem>>, %arg5: memref<1024x768xbf16, #tpu.memory_space<vmem>>, %arg6: memref<8x768xf32, #tpu.memory_space<vmem>>, %arg7: memref<1024x768xf32, #tpu.memory_space<vmem>>) attributes {dimension_semantics = [#tpu.dimension_semantics<parallel>], iteration_bounds = array<i64: 2>, scalar_prefetch = 0 : i64, scratch_operands = 0 : i64, tpu.core_type = #tpu.core_type<tc>, window_params = [{transform_indices = @transform_0, window_bounds = array<i64: 1024, 768>}, {transform_indices = @transform_1, window_bounds = array<i64: 1024, 8>}, {pipeline_mode = #tpu.pipeline_mode<synchronous>, transform_indices = @transform_2, window_bounds = array<i64: 768, 1024>}, {pipeline_mode = #tpu.pipeline_mode<synchronous>, transform_indices = @transform_3, window_bounds = array<i64: 1, 1024>}, {pipeline_mode = #tpu.pipeline_mode<synchronous>, transform_indices = @transform_4, window_bounds = array<i64: 1024, 768>}, {pipeline_mode = #tpu.pipeline_mode<synchronous>, transform_indices = @transform_5, window_bounds = array<i64: 8, 768>}, {transform_indices = @transform_6, window_bounds = array<i64: 1024, 768>}]} {
    %get3A = arith.constant 0 : index
    %get3A_0 = arith.constant 0 : index
    %get3A_1 = vector.load %arg1[%get3A, %get3A_0] : memref<1024x768xf32, #tpu.memory_space<vmem>>, vector<1024x768xf32>
    %get3A_2 = arith.constant 0 : index
    %get3A_3 = arith.constant 0 : index
    %get3A_4 = vector.load %arg2[%get3A_2, %get3A_3] : memref<1024x8xf32, #tpu.memory_space<vmem>>, vector<1024x8xf32>
    %iota3A = tpu.iota {dimensions = array<i32: 0>} : vector<8x1024xi32>
    %iota3A_5 = tpu.iota {dimensions = array<i32: 1>} : vector<8x1024xi32>
    %shift_right_arithmetic3A = arith.constant 7 : i32
    %shift_right_arithmetic3A_6 = vector.broadcast %shift_right_arithmetic3A : i32 to vector<8x1024xi32>
    %shift_right_arithmetic3A_7 = arith.shrsi %iota3A_5, %shift_right_arithmetic3A_6 : vector<8x1024xi32>
    %eq3A = arith.cmpi eq, %iota3A, %shift_right_arithmetic3A_7 : vector<8x1024xi32>
    %convert_element_type3A = arith.extui %eq3A : vector<8x1024xi1> to vector<8x1024xi32>
    %convert_element_type3A_8 = arith.sitofp %convert_element_type3A : vector<8x1024xi32> to vector<8x1024xf32>
    %dot_general3A = arith.constant dense<0.000000e+00> : vector<1024x1024xf32>
    %dot_general3A_9 = tpu.matmul %get3A_4, %convert_element_type3A_8, %dot_general3A {dimension_numbers = #tpu.dot_dimension_numbers<[1], [0], [0], [1], [0, 0, 1, 1], [], []>, transpose_lhs_hint = false} : vector<1024x8xf32>, vector<8x1024xf32>, vector<1024x1024xf32> -> vector<1024x1024xf32>
    %convert_element_type3A_10 = arith.truncf %get3A_1 : vector<1024x768xf32> to vector<1024x768xbf16>
    %get3A_11 = arith.constant 0 : index
    %get3A_12 = arith.constant 0 : index
    %get3A_13 = vector.load %arg3[%get3A_11, %get3A_12] : memref<768x1024xbf16, #tpu.memory_space<vmem>>, vector<768x1024xbf16>
    %dot_general3A_14 = arith.constant dense<0.000000e+00> : vector<1024x1024xf32>
    %dot_general3A_15 = tpu.matmul %convert_element_type3A_10, %get3A_13, %dot_general3A_14 {dimension_numbers = #tpu.dot_dimension_numbers<[1], [0], [0], [1], [0, 0, 1, 1], [], []>, transpose_lhs_hint = false} : vector<1024x768xbf16>, vector<768x1024xbf16>, vector<1024x1024xf32> -> vector<1024x1024xf32>
    %get3A_16 = arith.constant 0 : index
    %get3A_17 = arith.constant 0 : index
    %get3A_18 = vector.load %arg4[%get3A_16, %get3A_17] : memref<1x1024xf32, #tpu.memory_space<vmem>>, vector<1x1024xf32>
    %add3A = vector.broadcast %get3A_18 : vector<1x1024xf32> to vector<1024x1024xf32>
    %add3A_19 = arith.addf %dot_general3A_15, %add3A : vector<1024x1024xf32>
    %max3A = arith.constant 0.000000e+00 : f32
    %max3A_20 = vector.broadcast %max3A : f32 to vector<1024x1024xf32>
    %max3A_21 = arith.maximumf %add3A_19, %max3A_20 : vector<1024x1024xf32>
    %mul3A = arith.mulf %max3A_21, %dot_general3A_9 : vector<1024x1024xf32>
    %convert_element_type3A_22 = arith.truncf %mul3A : vector<1024x1024xf32> to vector<1024x1024xbf16>
    %get3A_23 = arith.constant 0 : index
    %get3A_24 = arith.constant 0 : index
    %get3A_25 = vector.load %arg5[%get3A_23, %get3A_24] : memref<1024x768xbf16, #tpu.memory_space<vmem>>, vector<1024x768xbf16>
    %dot_general3A_26 = arith.constant dense<0.000000e+00> : vector<1024x768xf32>
    %dot_general3A_27 = tpu.matmul %convert_element_type3A_22, %get3A_25, %dot_general3A_26 {dimension_numbers = #tpu.dot_dimension_numbers<[1], [0], [0], [1], [0, 0, 1, 1], [], []>, transpose_lhs_hint = false} : vector<1024x1024xbf16>, vector<1024x768xbf16>, vector<1024x768xf32> -> vector<1024x768xf32>
    %get3A_28 = arith.constant 0 : index
    %get3A_29 = arith.constant 0 : index
    %get3A_30 = vector.load %arg6[%get3A_28, %get3A_29] : memref<8x768xf32, #tpu.memory_space<vmem>>, vector<8x768xf32>
    %dot_general3A_31 = arith.constant dense<0.000000e+00> : vector<1024x768xf32>
    %dot_general3A_32 = tpu.matmul %get3A_4, %get3A_30, %dot_general3A_31 {dimension_numbers = #tpu.dot_dimension_numbers<[1], [0], [0], [1], [0, 0, 1, 1], [], []>, transpose_lhs_hint = false} : vector<1024x8xf32>, vector<8x768xf32>, vector<1024x768xf32> -> vector<1024x768xf32>
    %add3A_33 = arith.addf %dot_general3A_27, %dot_general3A_32 : vector<1024x768xf32>
    %swap3A = arith.constant 0 : index
    %swap3A_34 = arith.constant 0 : index
    %swap3A_35 = vector.load %arg7[%swap3A, %swap3A_34] : memref<1024x768xf32, #tpu.memory_space<vmem>>, vector<1024x768xf32>
    tpu.vector_store %arg7[%swap3A, %swap3A_34], %add3A_33 {strides = array<i32>} : memref<1024x768xf32, #tpu.memory_space<vmem>>, vector<1024x768xf32>,
    return
  }
  func.func @transform_0(%arg0: i32) -> (i32, i32) {
    %c0_i32 = arith.constant 0 : i32
    %c0_i32_0 = arith.constant 0 : i32
    return %arg0, %c0_i32 : i32, i32
  }
  func.func @transform_1(%arg0: i32) -> (i32, i32) {
    %c0_i32 = arith.constant 0 : i32
    %c0_i32_0 = arith.constant 0 : i32
    return %arg0, %c0_i32 : i32, i32
  }
  func.func @transform_2(%arg0: i32) -> (i32, i32) {
    %c0_i32 = arith.constant 0 : i32
    %c0_i32_0 = arith.constant 0 : i32
    %c0_i32_1 = arith.constant 0 : i32
    return %c0_i32, %c0_i32_0 : i32, i32
  }
  func.func @transform_3(%arg0: i32) -> (i32, i32) {
    %c0_i32 = arith.constant 0 : i32
    %c0_i32_0 = arith.constant 0 : i32
    %c0_i32_1 = arith.constant 0 : i32
    return %c0_i32, %c0_i32_0 : i32, i32
  }
  func.func @transform_4(%arg0: i32) -> (i32, i32) {
    %c0_i32 = arith.constant 0 : i32
    %c0_i32_0 = arith.constant 0 : i32
    %c0_i32_1 = arith.constant 0 : i32
    return %c0_i32, %c0_i32_0 : i32, i32
  }
  func.func @transform_5(%arg0: i32) -> (i32, i32) {
    %c0_i32 = arith.constant 0 : i32
    %c0_i32_0 = arith.constant 0 : i32
    %c0_i32_1 = arith.constant 0 : i32
    return %c0_i32, %c0_i32_0 : i32, i32
  }
  func.func @transform_6(%arg0: i32) -> (i32, i32) {
    %c0_i32 = arith.constant 0 : i32
    %c0_i32_0 = arith.constant 0 : i32
    return %arg0, %c0_i32 : i32, i32
  }
}

</mosaic_0001>

<sc_bundles>
// kernel: kernel.5.cloned.1.call-start
scs
__scs_entry_jumppad:
0x0: {  	(pc) =	sbr.rel $0x88, $3  }
0x1: {  	(tag) =	ssettag $0x0;
	lr =	simm.s32 $0x1  }
0x2: {  	[smem:$0x3F9A] =	sst lr;
	_ =	strace $0xD0000000  }
0x3: {  	_ = 	snop  }
0x4: {  	_ = 	snop  }
0x5: {  	_ = 	snop  }
0x6: {  	_ = 	snop  }
0x7: {  	_ = 	snop  }
__scs_overlays_trampoline_lowered:
0x8: {  	[smem:$0x3FA9] =	sst s0  }
0x9: {  	[smem:$0x3FAA] =	sst s1  }
0xa: {  	[smem:$0x3FAB] =	sst s2  }
0xb: {  	[smem:$0x3FAC] =	sst s3  }
0xc: {  	[smem:$0x3FAD] =	sst s4  }
0xd: {  	[smem:$0x3FAE] =	sst s5  }
0xe: {  	[smem:$0x3FAF] =	sst s6  }
0xf: {  	[smem:$0x3FB0] =	sst s7  }
0x10: {  	[smem:$0x3FB1] =	sst s8  }
0x11: {  	[smem:$0x3FB2] =	sst s9;
	s0 =	simm.s32 @!p0 $0x0  }
0x12: {  	s1 =	sld [smem:$0x3F98];
	s0 =	simm.s32 @p0 $0x1  }
0x13: {  	[smem:$0x3FB3] =	sst s0;
	s0 =	simm.s32 @!p1 $0x0  }
0x14: {  	s2 =	sld [smem:$0x3F97];
	s0 =	simm.s32 @p1 $0x1  }
0x15: {  	[smem:$0x3FB4] =	sst s0;
	s0 =	simm.s32 @!p2 $0x0  }
0x16: {  	s3 =	sld [smem:$0x3FDB];
	s0 =	simm.s32 @p2 $0x1  }
0x17: {  	s4 =	simm.s32 $0x1BF5;
	[smem:$0x3FB6] =	sst s0  }
0x18: {  	s0 =	sld [smem:$0x3F99];
	_ =	swait.ge [sflag:s4], $0x0  }
0x19: {  	s7 =	sld [smem:$0x3F9A]  }
0x1a: {  	s8 =	sadd.s32 $0xFFFFE003, lr  }
0x1b: {  	s9 =	sadd.s32 $0xFFFFFEF7, lr;
	s5 =	simm.s32 $0xFFFFFFFF;
	p2 =	slt.u32 s8, $0xFFFFF086  }
0x1c: {  	p1 =	slt.u32 s9, $0xF7A;
	s5 =	simm.s32 @!p2 $0x0  }
0x1d: {  	s5 =	simm.s32 @p1 $0x1;
	p0 =	seq.s32 s7, s2  }
0x1e: {  	s7 =	smul.u32 @!p0 $0xF7A, s2;
	p2 =	seq.s32 @!p0 s5, $0x0  }
0x1f: {  	s9 =	smul.u32 $0xF7A, s1;
	s8 =	simm.s32 @!p0 $0x1BF5;
	p2 =	por !p2, p0  }
0x20: {  	[sflag:s8] =	ssyncset.s32 @!p0 $0xFFFFF086;
	s6 =	sadd.s32 @!p0 s3, s7;
	s7 =	simm.s32 @!p0 $0x108  }
0x21: {  	s3 =	sadd.s32 s3, s9;
	s6 =	sadd.s32 @!p0 $0x88, s6;
	s7 =	simm.s32 @p2 $0x1082  }
0x22: {  	[simem:s7], [sflag:s8] =	dma.local @!p0 [hbm:s6], $0xF7A  }
0x23: {  	s9 =	sor.u32 $0xD0000000, s2;
	s6 =	simm.s32 $0x108;
	_ =	swait.ge @!p0 [sflag:s8], $0x0  }
0x24: {  	s3 =	sadd.s32 $0x88, s3;
	s6 =	simm.s32 @!p1 $0x1082;
	[sflag:s4] =	ssyncset.s32 $0xFFFFF086  }
0x25: {  	[simem:s6], [sflag:s4] =	dma.local [hbm:s3], $0xF7A  }
0x26: {  	[smem:$0x3F9A] =	sst s1;
	(tag) =	ssettag s2;
	_ =	strace s9  }
0x27: {  	s1 =	sld [smem:$0x3FAA]  }
0x28: {  	s2 =	sld [smem:$0x3FAB]  }
0x29: {  	s4 =	sld [smem:$0x3FAD]  }
0x2a: {  	p0 =	seq.s32 s5, $0x0;
	s5 =	sld [smem:$0x3FAE]  }
0x2b: {  	s6 =	sld [smem:$0x3FAF]  }
0x2c: {  	s7 =	sld [smem:$0x3FB0]  }
0x2d: {  	s3 =	simm.s32 $0x108;
	s8 =	sld [smem:$0x3FB1]  }
0x2e: {  	s3 =	simm.s32 @!p0 $0x1082;
	s9 =	sld [smem:$0x3FB2]  }
0x2f: {  	lr =	sadd.s32 s0, s3;
	s0 =	sld [smem:$0x3FA9]  }
0x30: {  	s3 =	sld [smem:$0x3FAC]  }
0x31: {  	[smem:$0x3FB5] =	sst s10  }
0x32: {  	s10 =	sld [smem:$0x3FB3];
	_ =	sdelay $0x3  }
0x33: {  	p0 =	seq.s32 s10, $0x1;
	s10 =	sld [smem:$0x3FB5];
	_ =	sdelay $0x3  }
0x34: {  	[smem:$0x3FB5] =	sst s10  }
0x35: {  	s10 =	sld [smem:$0x3FB4];
	_ =	sdelay $0x3  }
0x36: {  	p1 =	seq.s32 s10, $0x1;
	s10 =	sld [smem:$0x3FB5];
	_ =	sdelay $0x3  }
0x37: {  	[smem:$0x3FB5] =	sst s10  }
0x38: {  	s10 =	sld [smem:$0x3FB6]  }
0x39: {  	_ = 	snop;
	(pc) =	sbr.ind lr, $3  }
0x3a: {  	_ = 	snop  }
0x3b: {  	_ = 	snop  }
0x3c: {  	p2 =	seq.s32 s10, $0x1;
	s10 =	sld [smem:$0x3FB5]  }
0x3d: {  	_ =	shalt  }
0x3e: {  	_ =	shalt  }
0x3f: {  	_ =	shalt  }
0x40: {  	_ =	shalt  }
0x41: {  	_ =	shalt  }
0x42: {  	_ =	shalt  }
0x43: {  	_ =	shalt  }
0x44: {  	_ =	shalt  }
0x45: {  	_ =	shalt  }
0x46: {  	_ =	shalt  }
0x47: {  	_ =	shalt  }
0x48: {  	_ =	shalt  }
0x49: {  	_ =	shalt  }
0x4a: {  	_ =	shalt  }
0x4b: {  	_ =	shalt  }
0x4c: {  	_ =	shalt  }
0x4d: {  	_ =	shalt  }
0x4e: {  	_ =	shalt  }
0x4f: {  	_ =	shalt  }
0x50: {  	_ =	shalt  }
0x51: {  	_ =	shalt  }
0x52: {  	_ =	shalt  }
0x53: {  	_ =	shalt  }
0x54: {  	_ =	shalt  }
0x55: {  	_ =	shalt  }
0x56: {  	_ =	shalt  }
0x57: {  	_ =	shalt  }
0x58: {  	_ =	shalt  }
0x59: {  	_ =	shalt  }
0x5a: {  	_ =	shalt  }
0x5b: {  	_ =	shalt  }
0x5c: {  	_ =	shalt  }
0x5d: {  	_ =	shalt  }
0x5e: {  	_ =	shalt  }
0x5f: {  	_ =	shalt  }
0x60: {  	_ =	shalt  }
0x61: {  	_ =	shalt  }
0x62: {  	_ =	shalt  }
0x63: {  	_ =	shalt  }
0x64: {  	_ =	shalt  }
0x65: {  	_ =	shalt  }
0x66: {  	_ =	shalt  }
0x67: {  	_ =	shalt  }
0x68: {  	_ =	shalt  }
0x69: {  	_ =	shalt  }
0x6a: {  	_ =	shalt  }
0x6b: {  	_ =	shalt  }
0x6c: {  	_ =	shalt  }
0x6d: {  	_ =	shalt  }
0x6e: {  	_ =	shalt  }
0x6f: {  	_ =	shalt  }
0x70: {  	_ =	shalt  }
0x71: {  	_ =	shalt  }
0x72: {  	_ =	shalt  }
0x73: {  	_ =	shalt  }
0x74: {  	_ =	shalt  }
0x75: {  	_ =	shalt  }
0x76: {  	_ =	shalt  }
0x77: {  	_ =	shalt  }
0x78: {  	_ =	shalt  }
0x79: {  	_ =	shalt  }
0x7a: {  	_ =	shalt  }
0x7b: {  	_ =	shalt  }
0x7c: {  	_ =	shalt  }
0x7d: {  	_ =	shalt  }
0x7e: {  	_ =	shalt  }
0x7f: {  	_ =	shalt  }
0x80: {  	_ =	shalt  }
0x81: {  	_ =	shalt  }
0x82: {  	_ =	shalt  }
0x83: {  	_ =	shalt  }
0x84: {  	_ =	shalt  }
0x85: {  	_ =	shalt  }
0x86: {  	_ =	shalt  }
0x87: {  	_ =	shalt  }
.Lfunc_end0:
.L_simem_size_0:
called_computation_lowered:
.L_overlay_start_0:
0x88: {  	s2 =	sld [smem:$0x3FD9]  }
0x89: {  	s3 =	sld [smem:$0x3FFE];
	_ =	sdelay $0x1  }
0x8a: {  	s1 =	srdreg.scid  }
0x8b: {  	s0 =	sand.u32 $0x1, s1  }
0x8c: {  	s17 =	sshll.u32 s0, $0xA;
	s2 =	sadd.s32 s3, s2  }
0x8d: {  	s2 =	sadd.s32 s2, s17  }
0x8e: {  	[smem:$0x3FC1] =	sst s2  }
0x8f: {  	_ = 	snop  }
0x90: {  	s2 =	sld [smem:$0x3FD0];
	(tm) =	ssettm $0x1  }
0x91: {  	s18 =	sld [smem:$0x3FFB];
	_ =	sdelay $0x3  }
0x92: {  	_ =	strace s18  }
0x93: {  	s3 =	sld [smem:$0x3FFC];
	_ =	sdelay $0x3  }
0x94: {  	_ =	strace s3  }
0x95: {  	s3 =	sld [smem:$0x3FFD];
	_ =	sdelay $0x3  }
0x96: {  	_ =	strace s3  }
0x97: {  	_ =	strace $0x8FFFFFFF  }
0x98: {  	s19 =	sld [smem:$0x3FDB];
	_ =	sdelay $0x1  }
0x99: {  	s4 =	simm.s32 $_scs_section_size  }
0x9a: {  	s5 =	simm.s32 $_size__tile_overlayer_lowered;
	s6 =	simm.s32 $_tile_overlayer_lowered  }
0x9b: {  	s22 =	simm.s32 $0x1BFF;
	s21 =	sshll.u32 s6, $0x1;
	s3 =	sadd.s32 s4, s19  }
0x9c: {  	s7 =	simm.s32 $0x0;
	s20 =	sshll.u32 s5, $0x1;
	s5 =	sadd.s32 s21, s3  }
0x9d: {  	[timem:s7], [sflag:s22] =	dma.local [hbm:s5], s20  }
0x9e: {  	_ =	swait.ge [sflag:s22], s20  }
0x9f: {  	s4 =	ssub.s32 $0x0, s20;
	[sflag:s22] =	ssyncset.done $0x0  }
0xa0: {  	[sflag:s22] =	ssyncadd.s32 s4;
	_ =	sdelay $0x1  }
0xa1: {  	s23 =	simm.s32 $0x1B8B  }
0xa2: {  	_ =	swait.ge [sflag:s23], $0x1  }
0xa3: {  	[sflag:s23] =	ssyncset.done $0x0  }
0xa4: {  	s25 =	simm.s32 $0x1B8E;
	s24 =	sld [smem:$0x3FFE];
	[sflag:s23] =	ssyncadd.s32 $0xFFFFFFFF  }
0xa5: {  	s26 =	simm.s32 $execute0_lowered;
	[smem:$0x3FD2] =	sst s25  }
0xa6: {  	s5 =	sshll.u32 s26, $0x1;
	_ =	strace $0x80000046;
	[dreg:$0x1] =	wrdreg $0xFFFFFFFF  }
0xa7: {  	s28 =	simm.s32 $_size_execute0_lowered;
	s3 =	sadd.s32 s3, s5;
	[dreg:$0x0] =	wrdreg $0x0  }
0xa8: {  	s5 =	sshll.u32 s28, $0x1;
	[dreg:$0x2] =	wrdreg s3  }
0xa9: {  	[dreg:$0x3] =	wrdreg s5  }
0xaa: {  	[dreg:$0x4] =	wrdreg $0xC0  }
0xab: {  	_ =	task [dreg:s7], $0x5FFFF  }
0xac: {  	[dreg:$0x1] =	wrdreg $0xFFFFFFFF  }
0xad: {  	[dreg:$0x0] =	wrdreg $0x60  }
0xae: {  	[dreg:$0x2] =	wrdreg s2  }
0xaf: {  	[dreg:$0x3] =	wrdreg s24  }
0xb0: {  	[dreg:$0x4] =	wrdreg $0x9  }
0xb1: {  	_ =	task.clear_ibuf [dreg:s7], $0x5FFFF;
	_ =	strace $0x90000046  }
0xb2: {  	s29 =	simm.s32 $0x9;
	_ =	strace $0x80000048  }
0xb3: {  	_ =	swait.ge [sflag:s29], $0x1  }
0xb4: {  	[sflag:s29] =	ssyncadd.s32 $0xFFFFFFFF  }
0xb5: {  	_ =	strace $0x90000048  }
0xb6: {  	_ =	sfence  }
0xb7: {  	s30 =	sld [smem:$0x0];
	_ =	sdelay $0x2  }
0xb8: {  	s31 =	sshll.u32 s1, $0xD;
	s1 =	sshrl.u32 s1, $0x2  }
0xb9: {  	s3 =	sand.u32 $0x4000, s31;
	s1 =	sadd.s32 s1, s30  }
0xba: {  	s0 =	sor.u32 s3, s0;
	s1 =	sshll.u32 s1, $0x11  }
0xbb: {  	s0 =	sor.u32 s1, s0  }
0xbc: {  	s0 =	sadd.s32 $0x8F2B, s0  }
0xbd: {  	[sflag:s0] =	ssyncadd.remote.s32 $0x1  }
0xbe: {  	_ =	sfence.sel $0xFFFF  }
0xbf: {  	[dreg:$0x0] =	wrdreg $0xFFFFFFFF;
	(pc) =	sbr.abs _section_cstart, $3  }
0xc0: {  	[dreg:$0x1] =	wrdreg $0xFFFFFFFF  }
0xc1: {  	_ =	task.clear_ibuf [dreg:s7], $0x2FFFF;
	_ =	strace $0x9FFFFFFF  }
0xc2: {  	(tm) =	ssettm $0x7FFFFFFF  }
0xc3: {  	_ =	shalt  }
tec
execute0_lowered:
.L_overlay_start_1:
0x0: {  	(tag) =	ssettag $0x1  }
0x1: {  	v0 =	vlaneseq.u32  }
0x2: {  	v0 =	vmul.u32 $0x8, v0;
	_ =	sdelay $0x1  }
0x3: {  	v1 =	vimm.f32 $0.0e+00;
	v3 =	vimm.s32 $0x0;
	v2 =	vor.u32 $0x1, v0  }
0x4: {  	v4 =	vor.u32 $0x2, v0;
	v5 =	vor.u32 $0x3, v0;
	v6 =	vor.u32 $0x4, v0  }
0x5: {  	v7 =	vor.u32 $0x5, v0;
	v8 =	vor.u32 $0x6, v0;
	v9 =	vor.u32 $0x7, v0  }
0x6: {  	s3 =	rddreg [dreg:$0x0];
	v10 =	vor.u32 $0x80, v0;
	v11 =	vor.u32 $0x81, v0;
	v12 =	vor.u32 $0x82, v0  }
0x7: {  	s4 =	rddreg [dreg:$0x1];
	s2 =	srdreg.scid;
	v13 =	vor.u32 $0x83, v0;
	v14 =	vor.u32 $0x84, v0;
	v15 =	vor.u32 $0x85, v0  }
0x8: {  	s0 =	rddreg [dreg:$0x2];
	s1 =	stileid.u32;
	s5 =	sand.u32 $0x1, s2;
	v16 =	vor.u32 $0x86, v0;
	v17 =	vor.u32 $0x87, v0;
	v18 =	vor.u32 $0x100, v0  }
0x9: {  	s2 =	simm.s32 $0x0;
	s6 =	sshll.u32 s1, $0x7;
	s7 =	sshll.u32 s5, $0x6;
	v19 =	vor.u32 $0x101, v0;
	v20 =	vor.u32 $0x102, v0;
	v21 =	vor.u32 $0x103, v0  }
0xa: {  	[smem:$0x7FF] =	sst s2;
	s5 =	ssub.s32 $0x2, s5;
	s6 =	sor.u32 s7, s6;
	v22 =	vor.u32 $0x104, v0;
	v23 =	vor.u32 $0x105, v0;
	v24 =	vor.u32 $0x106, v0  }
0xb: {  	_ =	strace $0x80000047;
	s31 =	sshrl.u32 s5, $0x1;
	v25 =	vor.u32 $0x107, v0;
	v26 =	vor.u32 $0x180, v0;
	v27 =	vor.u32 $0x181, v0;
	s7 =	simm.s32 $0x200  }
0xc: {  	v28 =	vor.u32 $0x182, v0;
	v29 =	vor.u32 $0x183, v0;
	v30 =	vor.u32 $0x184, v0;
	s4 =	sadd.s32 s6, s4;
	s5 =	ssub.s32 s5, s31;
	s3 =	sadd.s32 s3, s6  }
0xd: {  	v31 =	vor.u32 $0x185, v0;
	v32 =	vor.u32 $0x186, v0;
	v33 =	vor.u32 $0x187, v0;
	s6 =	simm.s32 $0x1;
	s4 =	sadd.s32 $0x1000, s4;
	s5 =	smax.u32 s5, $0x1  }
.LBB2_1:
0xe: {  	[tilespmem:s2], [sflag:$0x1] =	stream.linear.gather [hbm4b:s3+s2], $0x200, $0x38;
	[tilespmem:$0x400] =	vst v63  }
0xf: {  	_ =	swait.ge [sflag:s6], $0x200  }
0x10: {  	[sflag:s6] =	ssyncset.done $0x0  }
0x11: {  	[sflag:s6] =	ssyncadd.s32 $0xFFFFFE00  }
0x12: {  	[tilespmem:$0x200] =	vst v1  }
0x13: {  	[tilespmem:$0x210] =	vst v1  }
0x14: {  	[tilespmem:$0x220] =	vst v1  }
0x15: {  	[tilespmem:$0x230] =	vst v1  }
0x16: {  	[tilespmem:$0x240] =	vst v1  }
0x17: {  	[tilespmem:$0x250] =	vst v1  }
0x18: {  	[tilespmem:$0x260] =	vst v1  }
0x19: {  	[tilespmem:$0x270] =	vst v1  }
0x1a: {  	[tilespmem:$0x280] =	vst v1  }
0x1b: {  	[tilespmem:$0x290] =	vst v1  }
0x1c: {  	[tilespmem:$0x2A0] =	vst v1  }
0x1d: {  	[tilespmem:$0x2B0] =	vst v1  }
0x1e: {  	[tilespmem:$0x2C0] =	vst v1  }
0x1f: {  	[tilespmem:$0x2D0] =	vst v1  }
0x20: {  	[tilespmem:$0x2E0] =	vst v1  }
0x21: {  	[tilespmem:$0x2F0] =	vst v1  }
0x22: {  	[tilespmem:$0x300] =	vst v1  }
0x23: {  	[tilespmem:$0x310] =	vst v1  }
0x24: {  	[tilespmem:$0x320] =	vst v1  }
0x25: {  	[tilespmem:$0x330] =	vst v1  }
0x26: {  	[tilespmem:$0x340] =	vst v1  }
0x27: {  	[tilespmem:$0x350] =	vst v1  }
0x28: {  	[tilespmem:$0x360] =	vst v1  }
0x29: {  	[tilespmem:$0x370] =	vst v1  }
0x2a: {  	[tilespmem:$0x380] =	vst v1  }
0x2b: {  	[tilespmem:$0x390] =	vst v1  }
0x2c: {  	[tilespmem:$0x3A0] =	vst v1  }
0x2d: {  	[tilespmem:$0x3B0] =	vst v1  }
0x2e: {  	[tilespmem:$0x3C0] =	vst v1  }
0x2f: {  	[tilespmem:$0x3D0] =	vst v1  }
0x30: {  	[tilespmem:$0x3E0] =	vst v1  }
0x31: {  	[tilespmem:$0x3F0] =	vst v1  }
0x32: {  	v34 =	vld.idx.msk [tilespmem:v2+s2+$0x0], $0xffff  }
0x33: {  	v35 =	vld.idx.msk [tilespmem:v0+s2+$0x0], $0xffff;
	_ =	sdelay $0x2  }
0x34: {  	v36 =	vld.idx.msk [tilespmem:v4+s2+$0x0], $0xffff  }
0x35: {  	vm1 =	vlt.f32 v34, $-Inf;
	vm2 =	vgt.f32 v34, $-Inf  }
0x36: {  	vm0 =	vgt.f32 v34, v35;
	vm1 =	vmor vm2, vm1  }
0x37: {  	v38 =	vld.idx.msk [tilespmem:v5+s2+$0x0], $0xffff;
	vm2 =	vmneg vm0;
	v37 =	vnsel vm1, $0xFF800000, v34  }
0x38: {  	v37 =	vsel vm2, v37, v35  }
0x39: {  	v34 =	vsel vm2, v35, v34;
	vm4 =	vgt.f32 v36, v37  }
0x3a: {  	v60 =	vld.idx.msk [tilespmem:v6+s2+$0x0], $0xffff;
	vm3 =	vgt.f32 v36, v34;
	v59 =	vsel vm4, v36, v37  }
0x3b: {  	v35 =	vsel vm3, v34, v59  }
0x3c: {  	v34 =	vsel vm3, v36, v34;
	vm7 =	vgt.f32 v38, v35  }
0x3d: {  	v61 =	vld.idx.msk [tilespmem:v7+s2+$0x0], $0xffff;
	vm5 =	vgt.f32 v38, v34;
	v35 =	vsel vm7, v38, v35  }
0x3e: {  	v35 =	vsel vm5, v34, v35  }
0x3f: {  	v34 =	vsel vm5, v38, v34;
	vm8 =	vgt.f32 v60, v35  }
0x40: {  	v62 =	vld.idx.msk [tilespmem:v8+s2+$0x0], $0xffff;
	vm6 =	vgt.f32 v60, v34;
	v35 =	vsel vm8, v60, v35  }
0x41: {  	v35 =	vsel vm6, v34, v35  }
0x42: {  	v34 =	vsel vm6, v60, v34;
	vm10 =	vgt.f32 v61, v35  }
0x43: {  	v63 =	vld.idx.msk [tilespmem:v9+s2+$0x0], $0xffff;
	vm9 =	vgt.f32 v61, v34;
	v35 =	vsel vm10, v61, v35  }
0x44: {  	v35 =	vsel vm9, v34, v35  }
0x45: {  	v34 =	vsel vm9, v61, v34;
	vm11 =	vgt.f32 v62, v35  }
0x46: {  	vm12 =	vgt.f32 v62, v34;
	v35 =	vsel vm11, v62, v35  }
0x47: {  	v35 =	vsel vm12, v34, v35  }
0x48: {  	v34 =	vsel vm12, v62, v34;
	vm13 =	vgt.f32 v63, v35  }
0x49: {  	vm14 =	vgt.f32 v63, v34;
	v35 =	vsel vm13, v63, v35  }
0x4a: {  	v35 =	vsel vm14, v34, v35;
	v34 =	vsel vm14, v63, v34  }
0x4b: {  	v34 =	vsub.f32 v35, v34;
	_ =	sdelay $0x1  }
0x4c: {  	v34 =	vmul.f32 $1.442695020e+00, v34;
	_ =	sdelay $0x1  }
0x4d: {  	(erf) = vpow2.f32 v34;
	_ =	sdelay $0x4  }
0x4e: {  	vm1 =	vmand vm2, vm1  }
0x4f: {  	v39 =	vsel vm1, $0x1, v3  }
0x50: {  	v40 =	vsel vm0, $0x1, v3;
	v34 =	vsel vm4, $0x2, v39  }
0x51: {  	v34 =	vsel vm3, v40, v34  }
0x52: {  	v35 =	vsel vm3, $0x2, v40;
	v34 =	vsel vm7, $0x3, v34;
	v41 =	vpop (erf)  }
0x53: {  	v34 =	vsel vm5, v35, v34;
	v42 =	vadd.f32 $1.000000000e+00, v41  }
0x54: {  	v35 =	vsel vm5, $0x3, v35;
	v34 =	vsel vm8, $0x4, v34  }
0x55: {  	v34 =	vsel vm6, v35, v34;
	(erf) = vrcp.f32 v42  }
0x56: {  	v35 =	vsel vm6, $0x4, v35;
	v34 =	vsel vm10, $0x5, v34  }
0x57: {  	v34 =	vsel vm9, v35, v34  }
0x58: {  	v35 =	vsel vm9, $0x5, v35;
	v34 =	vsel vm11, $0x6, v34  }
0x59: {  	v34 =	vsel vm12, v35, v34;
	v35 =	vsel vm12, $0x6, v35  }
0x5a: {  	v34 =	vsel vm13, $0x7, v34;
	v43 =	vor.u32 v0, v35  }
0x5b: {  	v34 =	vsel vm14, v35, v34;
	v44 =	vsel vm14, v9, v43  }
0x5c: {  	v34 =	vadd.s32 v0, v34;
	_ =	sdelay $0x1  }
0x5d: {  	v45 =	vpop (erf)  }
0x5e: {  	v36 =	vmul.f32 v45, v41  }
0x5f: {  	[tilespmem:v44+s7+$0x0] =	vst.idx.msk $0xffff, v45  }
0x60: {  	[tilespmem:v34+s7+$0x0] =	vst.idx.msk $0xffff, v36  }
0x61: {  	v34 =	vld.idx.msk [tilespmem:v11+s2+$0x0], $0xffff  }
0x62: {  	v35 =	vld.idx.msk [tilespmem:v10+s2+$0x0], $0xffff;
	_ =	sdelay $0x2  }
0x63: {  	v36 =	vld.idx.msk [tilespmem:v12+s2+$0x0], $0xffff  }
0x64: {  	vm10 =	vlt.f32 v34, $-Inf;
	vm11 =	vgt.f32 v34, $-Inf  }
0x65: {  	vm0 =	vgt.f32 v34, v35;
	vm1 =	vmor vm11, vm10  }
0x66: {  	v47 =	vld.idx.msk [tilespmem:v13+s2+$0x0], $0xffff;
	vm2 =	vmneg vm0;
	v46 =	vnsel vm1, $0xFF800000, v34  }
0x67: {  	v37 =	vsel vm2, v46, v35  }
0x68: {  	v34 =	vsel vm2, v35, v34;
	vm4 =	vgt.f32 v36, v37  }
0x69: {  	v49 =	vld.idx.msk [tilespmem:v14+s2+$0x0], $0xffff;
	vm3 =	vgt.f32 v36, v34;
	v48 =	vsel vm4, v36, v37  }
0x6a: {  	v35 =	vsel vm3, v34, v48  }
0x6b: {  	v34 =	vsel vm3, v36, v34;
	vm7 =	vgt.f32 v47, v35  }
0x6c: {  	v50 =	vld.idx.msk [tilespmem:v15+s2+$0x0], $0xffff;
	vm5 =	vgt.f32 v47, v34;
	v35 =	vsel vm7, v47, v35  }
0x6d: {  	v35 =	vsel vm5, v34, v35  }
0x6e: {  	v34 =	vsel vm5, v47, v34;
	vm8 =	vgt.f32 v49, v35  }
0x6f: {  	v51 =	vld.idx.msk [tilespmem:v16+s2+$0x0], $0xffff;
	vm6 =	vgt.f32 v49, v34;
	v35 =	vsel vm8, v49, v35  }
0x70: {  	v35 =	vsel vm6, v34, v35  }
0x71: {  	v34 =	vsel vm6, v49, v34;
	vm10 =	vgt.f32 v50, v35  }
0x72: {  	v52 =	vld.idx.msk [tilespmem:v17+s2+$0x0], $0xffff;
	vm9 =	vgt.f32 v50, v34;
	v35 =	vsel vm10, v50, v35  }
0x73: {  	v35 =	vsel vm9, v34, v35  }
0x74: {  	v34 =	vsel vm9, v50, v34;
	vm11 =	vgt.f32 v51, v35  }
0x75: {  	vm12 =	vgt.f32 v51, v34;
	v35 =	vsel vm11, v51, v35  }
0x76: {  	v35 =	vsel vm12, v34, v35  }
0x77: {  	v34 =	vsel vm12, v51, v34;
	vm13 =	vgt.f32 v52, v35  }
0x78: {  	vm14 =	vgt.f32 v52, v34;
	v35 =	vsel vm13, v52, v35  }
0x79: {  	v35 =	vsel vm14, v34, v35;
	v34 =	vsel vm14, v52, v34  }
0x7a: {  	v34 =	vsub.f32 v35, v34;
	_ =	sdelay $0x1  }
0x7b: {  	v34 =	vmul.f32 $1.442695020e+00, v34;
	_ =	sdelay $0x1  }
0x7c: {  	(erf) = vpow2.f32 v34;
	_ =	sdelay $0x4  }
0x7d: {  	vm1 =	vmand vm2, vm1  }
0x7e: {  	v53 =	vsel vm1, $0x1, v3  }
0x7f: {  	v54 =	vsel vm0, $0x1, v3;
	v34 =	vsel vm4, $0x2, v53  }
0x80: {  	v34 =	vsel vm3, v54, v34  }
0x81: {  	v35 =	vsel vm3, $0x2, v54;
	v34 =	vsel vm7, $0x3, v34;
	v55 =	vpop (erf)  }
0x82: {  	v34 =	vsel vm5, v35, v34;
	v56 =	vadd.f32 $1.000000000e+00, v55  }
0x83: {  	v35 =	vsel vm5, $0x3, v35;
	v34 =	vsel vm8, $0x4, v34  }
0x84: {  	v34 =	vsel vm6, v35, v34;
	(erf) = vrcp.f32 v56  }
0x85: {  	v35 =	vsel vm6, $0x4, v35;
	v34 =	vsel vm10, $0x5, v34  }
0x86: {  	v34 =	vsel vm9, v35, v34  }
0x87: {  	v35 =	vsel vm9, $0x5, v35;
	v34 =	vsel vm11, $0x6, v34  }
0x88: {  	v34 =	vsel vm12, v35, v34;
	v35 =	vsel vm12, $0x6, v35  }
0x89: {  	v34 =	vsel vm13, $0x7, v34;
	v57 =	vor.u32 v10, v35  }
0x8a: {  	v34 =	vsel vm14, v35, v34;
	v58 =	vsel vm14, v17, v57  }
0x8b: {  	v34 =	vadd.s32 v10, v34;
	_ =	sdelay $0x1  }
0x8c: {  	v59 =	vpop (erf)  }
0x8d: {  	v36 =	vmul.f32 v59, v55  }
0x8e: {  	[tilespmem:v58+s7+$0x0] =	vst.idx.msk $0xffff, v59  }
0x8f: {  	[tilespmem:v34+s7+$0x0] =	vst.idx.msk $0xffff, v36  }
0x90: {  	v34 =	vld.idx.msk [tilespmem:v19+s2+$0x0], $0xffff  }
0x91: {  	v35 =	vld.idx.msk [tilespmem:v18+s2+$0x0], $0xffff;
	_ =	sdelay $0x2  }
0x92: {  	v36 =	vld.idx.msk [tilespmem:v20+s2+$0x0], $0xffff  }
0x93: {  	vm12 =	vlt.f32 v34, $-Inf;
	vm13 =	vgt.f32 v34, $-Inf  }
0x94: {  	vm0 =	vgt.f32 v34, v35;
	vm1 =	vmor vm13, vm12  }
0x95: {  	v61 =	vld.idx.msk [tilespmem:v21+s2+$0x0], $0xffff;
	vm2 =	vmneg vm0;
	v60 =	vnsel vm1, $0xFF800000, v34  }
0x96: {  	v37 =	vsel vm2, v60, v35  }
0x97: {  	v34 =	vsel vm2, v35, v34;
	vm4 =	vgt.f32 v36, v37  }
0x98: {  	v63 =	vld.idx.msk [tilespmem:v22+s2+$0x0], $0xffff;
	vm3 =	vgt.f32 v36, v34;
	v62 =	vsel vm4, v36, v37  }
0x99: {  	v35 =	vsel vm3, v34, v62  }
0x9a: {  	v34 =	vsel vm3, v36, v34;
	vm7 =	vgt.f32 v61, v35  }
0x9b: {  	v40 =	vld.idx.msk [tilespmem:v23+s2+$0x0], $0xffff;
	vm5 =	vgt.f32 v61, v34;
	v35 =	vsel vm7, v61, v35  }
0x9c: {  	v35 =	vsel vm5, v34, v35  }
0x9d: {  	v34 =	vsel vm5, v61, v34;
	vm8 =	vgt.f32 v63, v35  }
0x9e: {  	v41 =	vld.idx.msk [tilespmem:v24+s2+$0x0], $0xffff;
	vm6 =	vgt.f32 v63, v34;
	v35 =	vsel vm8, v63, v35  }
0x9f: {  	v35 =	vsel vm6, v34, v35  }
0xa0: {  	v34 =	vsel vm6, v63, v34;
	vm10 =	vgt.f32 v40, v35  }
0xa1: {  	v42 =	vld.idx.msk [tilespmem:v25+s2+$0x0], $0xffff;
	vm9 =	vgt.f32 v40, v34;
	v35 =	vsel vm10, v40, v35  }
0xa2: {  	v35 =	vsel vm9, v34, v35  }
0xa3: {  	v34 =	vsel vm9, v40, v34;
	vm11 =	vgt.f32 v41, v35  }
0xa4: {  	vm12 =	vgt.f32 v41, v34;
	v35 =	vsel vm11, v41, v35  }
0xa5: {  	v35 =	vsel vm12, v34, v35  }
0xa6: {  	v34 =	vsel vm12, v41, v34;
	vm13 =	vgt.f32 v42, v35  }
0xa7: {  	vm14 =	vgt.f32 v42, v34;
	v35 =	vsel vm13, v42, v35  }
0xa8: {  	v35 =	vsel vm14, v34, v35;
	v34 =	vsel vm14, v42, v34  }
0xa9: {  	v34 =	vsub.f32 v35, v34;
	_ =	sdelay $0x1  }
0xaa: {  	v34 =	vmul.f32 $1.442695020e+00, v34;
	_ =	sdelay $0x1  }
0xab: {  	(erf) = vpow2.f32 v34;
	_ =	sdelay $0x4  }
0xac: {  	vm1 =	vmand vm2, vm1  }
0xad: {  	v43 =	vsel vm1, $0x1, v3  }
0xae: {  	v44 =	vsel vm0, $0x1, v3;
	v34 =	vsel vm4, $0x2, v43  }
0xaf: {  	v34 =	vsel vm3, v44, v34  }
0xb0: {  	v35 =	vsel vm3, $0x2, v44;
	v34 =	vsel vm7, $0x3, v34;
	v45 =	vpop (erf)  }
0xb1: {  	v34 =	vsel vm5, v35, v34;
	v46 =	vadd.f32 $1.000000000e+00, v45  }
0xb2: {  	v35 =	vsel vm5, $0x3, v35;
	v34 =	vsel vm8, $0x4, v34  }
0xb3: {  	v34 =	vsel vm6, v35, v34;
	(erf) = vrcp.f32 v46  }
0xb4: {  	v35 =	vsel vm6, $0x4, v35;
	v34 =	vsel vm10, $0x5, v34  }
0xb5: {  	v34 =	vsel vm9, v35, v34  }
0xb6: {  	v35 =	vsel vm9, $0x5, v35;
	v34 =	vsel vm11, $0x6, v34  }
0xb7: {  	v34 =	vsel vm12, v35, v34;
	v35 =	vsel vm12, $0x6, v35  }
0xb8: {  	v34 =	vsel vm13, $0x7, v34;
	v47 =	vor.u32 v18, v35  }
0xb9: {  	v34 =	vsel vm14, v35, v34;
	v48 =	vsel vm14, v25, v47  }
0xba: {  	v34 =	vadd.s32 v18, v34;
	_ =	sdelay $0x1  }
0xbb: {  	v49 =	vpop (erf)  }
0xbc: {  	v36 =	vmul.f32 v49, v45  }
0xbd: {  	[tilespmem:v48+s7+$0x0] =	vst.idx.msk $0xffff, v49  }
0xbe: {  	[tilespmem:v34+s7+$0x0] =	vst.idx.msk $0xffff, v36  }
0xbf: {  	v34 =	vld.idx.msk [tilespmem:v27+s2+$0x0], $0xffff  }
0xc0: {  	v35 =	vld.idx.msk [tilespmem:v26+s2+$0x0], $0xffff;
	_ =	sdelay $0x2  }
0xc1: {  	v36 =	vld.idx.msk [tilespmem:v28+s2+$0x0], $0xffff  }
0xc2: {  	vm14 =	vlt.f32 v34, $-Inf;
	vm15 =	vgt.f32 v34, $-Inf  }
0xc3: {  	vm0 =	vgt.f32 v34, v35;
	vm1 =	vmor vm15, vm14  }
0xc4: {  	v51 =	vld.idx.msk [tilespmem:v29+s2+$0x0], $0xffff;
	vm2 =	vmneg vm0;
	v50 =	vnsel vm1, $0xFF800000, v34  }
0xc5: {  	v37 =	vsel vm2, v50, v35  }
0xc6: {  	v34 =	vsel vm2, v35, v34;
	vm4 =	vgt.f32 v36, v37  }
0xc7: {  	v53 =	vld.idx.msk [tilespmem:v30+s2+$0x0], $0xffff;
	vm3 =	vgt.f32 v36, v34;
	v52 =	vsel vm4, v36, v37  }
0xc8: {  	v35 =	vsel vm3, v34, v52  }
0xc9: {  	v34 =	vsel vm3, v36, v34;
	vm7 =	vgt.f32 v51, v35  }
0xca: {  	v54 =	vld.idx.msk [tilespmem:v31+s2+$0x0], $0xffff;
	vm5 =	vgt.f32 v51, v34;
	v35 =	vsel vm7, v51, v35  }
0xcb: {  	v35 =	vsel vm5, v34, v35  }
0xcc: {  	v34 =	vsel vm5, v51, v34;
	vm8 =	vgt.f32 v53, v35  }
0xcd: {  	v55 =	vld.idx.msk [tilespmem:v32+s2+$0x0], $0xffff;
	vm6 =	vgt.f32 v53, v34;
	v35 =	vsel vm8, v53, v35  }
0xce: {  	v35 =	vsel vm6, v34, v35  }
0xcf: {  	v34 =	vsel vm6, v53, v34;
	vm10 =	vgt.f32 v54, v35  }
0xd0: {  	v56 =	vld.idx.msk [tilespmem:v33+s2+$0x0], $0xffff;
	vm9 =	vgt.f32 v54, v34;
	v35 =	vsel vm10, v54, v35  }
0xd1: {  	v35 =	vsel vm9, v34, v35  }
0xd2: {  	v34 =	vsel vm9, v54, v34;
	vm11 =	vgt.f32 v55, v35  }
0xd3: {  	vm12 =	vgt.f32 v55, v34;
	v35 =	vsel vm11, v55, v35  }
0xd4: {  	v35 =	vsel vm12, v34, v35  }
0xd5: {  	v34 =	vsel vm12, v55, v34;
	vm13 =	vgt.f32 v56, v35  }
0xd6: {  	vm14 =	vgt.f32 v56, v34;
	v35 =	vsel vm13, v56, v35  }
0xd7: {  	v35 =	vsel vm14, v34, v35;
	v34 =	vsel vm14, v56, v34  }
0xd8: {  	v34 =	vsub.f32 v35, v34;
	_ =	sdelay $0x1  }
0xd9: {  	v34 =	vmul.f32 $1.442695020e+00, v34;
	_ =	sdelay $0x1  }
0xda: {  	(erf) = vpow2.f32 v34;
	_ =	sdelay $0x4  }
0xdb: {  	vm1 =	vmand vm2, vm1  }
0xdc: {  	v57 =	vsel vm1, $0x1, v3  }
0xdd: {  	v58 =	vsel vm0, $0x1, v3;
	v34 =	vsel vm4, $0x2, v57  }
0xde: {  	v34 =	vsel vm3, v58, v34  }
0xdf: {  	v35 =	vsel vm3, $0x2, v58;
	v34 =	vsel vm7, $0x3, v34;
	v59 =	vpop (erf)  }
0xe0: {  	v34 =	vsel vm5, v35, v34;
	v60 =	vadd.f32 $1.000000000e+00, v59  }
0xe1: {  	v35 =	vsel vm5, $0x3, v35;
	v34 =	vsel vm8, $0x4, v34  }
0xe2: {  	v34 =	vsel vm6, v35, v34;
	(erf) = vrcp.f32 v60  }
0xe3: {  	v35 =	vsel vm6, $0x4, v35;
	v34 =	vsel vm10, $0x5, v34  }
0xe4: {  	v34 =	vsel vm9, v35, v34  }
0xe5: {  	v35 =	vsel vm9, $0x5, v35;
	v34 =	vsel vm11, $0x6, v34  }
0xe6: {  	v34 =	vsel vm12, v35, v34;
	v35 =	vsel vm12, $0x6, v35  }
0xe7: {  	v34 =	vsel vm13, $0x7, v34;
	v61 =	vor.u32 v26, v35  }
0xe8: {  	v34 =	vsel vm14, v35, v34;
	v62 =	vsel vm14, v33, v61  }
0xe9: {  	v34 =	vadd.s32 v26, v34;
	_ =	sdelay $0x1  }
0xea: {  	v63 =	vpop (erf)  }
0xeb: {  	v36 =	vmul.f32 v63, v59  }
0xec: {  	p0 =	sne.s32 s5, $0x1;
	[tilespmem:v62+s7+$0x0] =	vst.idx.msk $0xffff, v63  }
.Ltmp0:
0xed: {  	[tilespmem:v34+s7+$0x0] =	vst.idx.msk $0xffff, v36;
	(pc) =	sbr.rel @p0 .LBB2_1-.Ltmp0, $4  }
0xee: {  	[hbm4b:s4+s2] =	stream.linear.scatter [tilespmem:s7], [sflag:$0x1], $0x200, $0x38;
	[tilespmem:$0x400] =	vst v63  }
0xef: {  	_ =	swait.ge [sflag:s6], $0x200  }
0xf0: {  	[sflag:s6] =	ssyncset.done $0x0  }
0xf1: {  	s5 =	sadd.s32 $0xFFFFFFFF, s5;
	[sflag:s6] =	ssyncadd.s32 $0xFFFFFE00  }
0xf2: {  	_ =	sfence.sel $0x180000  }
0xf3: {  	[bflag:$0x0] =	sbarrier.arrive $0xFFFF  }
0xf4: {  	p0 =	sne.s32 s1, $0x0;
	_ =	strace $0x90000047  }
0xf5: {  	s0 =	sadd.s32 @!p0 $0x100000, s0;
	[bflag:$0x2] =	sbarrier.arrive $0xFFFF  }
0xf6: {  	[sflag:s0] =	ssyncadd.tile.s32 @!p0 $0x1;
	_ =	shalt  }
.Lfunc_end2:
_tile_overlayer_lowered:
.L_overlay_start_2:
0xf7: {  	(tag) =	ssettag $0x2  }
0xf8: {  	s0 =	rddreg [dreg:$0x0];
	s2 =	stileid.u32  }
0xf9: {  	s1 =	rddreg [dreg:$0x1];
	p0 =	sne.s32 s2, $0x0  }
0xfa: {  	s3 =	rddreg [dreg:$0x2];
	[bflag:$0x3] =	sbarrier.arrive $0xFFFF;
	s2 =	simm.s32 @!p0 $0x1C01  }
0xfb: {  	[timem:s3], [sflag:s2] =	dma.local @!p0 [hbm:s0], s1  }
0xfc: {  	s0 =	simm.s32 @!p0 $0x1  }
0xfd: {  	_ =	swait.ge @!p0 [sflag:s0], s1  }
0xfe: {  	s1 =	ssub.s32 @!p0 $0x0, s1;
	[sflag:s0] =	ssyncset.done @!p0 $0x0  }
0xff: {  	[sflag:s0] =	ssyncadd.s32 @!p0 s1  }
0x100: {  	[bflag:$0x3] =	sbarrier.arrive $0xFFFF  }
0x101: {  	_ =	shalt  }

</sc_bundles>
